<compile_context>
chip_gen: v7x
topology: tpu7x:2x2x1
jax: 0.10.2.dev20260603
libtpu: 0.0.44.dev20260713+nightly
codegen_flags: <defaults>
</compile_context>

<pallas_src>
import functools

import jax
import jax.numpy as jnp
from jax import lax
from jax.experimental import pallas as pl
from jax.experimental.pallas import tpu as pltpu
from jax.experimental.pallas import tpu_sc as plsc

NC, NS, LANES = 2, 16, 16
NW = NC * NS
OW = 128


def _pad_tables(tables):
    NF, V, H = tables.shape
    return jnp.pad(tables, ((0, 0), (0, 0), (0, OW - H)))


def _emb_sum(tab128, idx4, P, V, H, NF):
    CHUNK = P // NW
    CPAD = 2048
    SB = 32
    NB = CHUNK // SB
    IR = CPAD // 128

    mesh = plsc.VectorSubcoreMesh(core_axis_name="c", subcore_axis_name="s")

    @functools.partial(
        pl.kernel,
        out_type=jax.ShapeDtypeStruct((P, OW), jnp.float32),
        mesh=mesh,
        scratch_types=(
            [pltpu.VMEM((IR, 128), jnp.int32) for _ in range(NF)]
            + [pltpu.VMEM((SB, OW), jnp.float32) for _ in range(2 * NF)]
            + [pltpu.SemaphoreType.DMA for _ in range(3)]
        ),
    )
    def emb_kernel(tab_hbm, idx_hbm, out_hbm, *scratch):
        idx_v = scratch[:NF]
        rows_v = [scratch[NF:2 * NF], scratch[2 * NF:3 * NF]]
        isem, semA, semB = scratch[3 * NF:]
        sems = [semA, semB]
        wid = lax.axis_index("s") * NC + lax.axis_index("c")
        base0 = wid * CHUNK

        idescs = [
            pltpu.async_copy(
                idx_hbm.at[pl.ds((f * NW + wid) * IR, IR)], idx_v[f], isem
            )
            for f in range(NF)
        ]
        for d in idescs:
            d.wait()

        def fire(b, st):
            r = b // 4
            c = (b % 4) * SB
            return [
                pltpu.async_copy(
                    tab_hbm.at[f].at[idx_v[f].at[r, pl.ds(c, SB)]],
                    rows_v[st][f],
                    sems[st],
                )
                for f in range(NF)
            ]

        def consume(b, st):
            rv = rows_v[st]

            @pl.loop(0, SB)
            def _(p, rv=rv):
                for j in range(H // LANES):
                    sl = pl.ds(j * LANES, LANES)
                    v = rv[0][p, sl]
                    for f in range(1, NF):
                        v = v + rv[f][p, sl]
                    rv[0][p, sl] = v

            pltpu.sync_copy(rv[0], out_hbm.at[pl.ds(base0 + b * SB, SB)])

        def drain(b, st):
            r = b // 4
            c = (b % 4) * SB
            for f in range(NF):
                pltpu.make_async_copy(
                    tab_hbm.at[f].at[idx_v[f].at[r, pl.ds(c, SB)]],
                    rows_v[st][f],
                    sems[st],
                ).wait()

        fire(0, 0)

        @pl.loop(0, NB // 2)
        def _(k):
            b0 = 2 * k
            fire(b0 + 1, 1)
            drain(b0, 0)
            consume(b0, 0)

            @pl.when(k < NB // 2 - 1)
            def _():
                fire(b0 + 2, 0)

            drain(b0 + 1, 1)
            consume(b0 + 1, 1)

    return emb_kernel(tab128, idx4)


def _mlp(emb, W1, b1, gamma, beta, H, Ll, Bb):

    def body(x_ref, w_ref, b_ref, g_ref, bt_ref, o_ref):
        x = x_ref[:, 0:H]
        h = jnp.dot(x, w_ref[...], preferred_element_type=jnp.float32) + b_ref[...]
        mu = jnp.mean(h, axis=-1, keepdims=True)
        var = jnp.mean(jnp.square(h - mu), axis=-1, keepdims=True)
        hn = (h - mu) * lax.rsqrt(var + 1e-5) * g_ref[...] + bt_ref[...]
        o_ref[0] = jnp.maximum(hn, 0.0).T

    return pl.pallas_call(
        body,
        grid=(Ll,),
        in_specs=[
            pl.BlockSpec((Bb, OW), lambda i: (i, 0)),
            pl.BlockSpec((H, H), lambda i: (0, 0)),
            pl.BlockSpec((1, H), lambda i: (0, 0)),
            pl.BlockSpec((1, H), lambda i: (0, 0)),
            pl.BlockSpec((1, H), lambda i: (0, 0)),
        ],
        out_specs=pl.BlockSpec((1, H, Bb), lambda i: (i, 0, 0)),
        out_shape=jax.ShapeDtypeStruct((Ll, H, Bb), jnp.float32),
    )(emb, W1, b1.reshape(1, H), gamma.reshape(1, H), beta.reshape(1, H))


def kernel(tables, W1, b1, gamma, beta, indices):
    NF, V, H = tables.shape
    _, Bb, Ll = indices.shape
    P = Bb * Ll
    CHUNK = P // NW
    CPAD = 2048

    tab128 = _pad_tables(tables)
    idx = jnp.transpose(indices, (0, 2, 1)).reshape(NF, NW, CHUNK).astype(jnp.int32)
    idx4 = jnp.pad(idx, ((0, 0), (0, 0), (0, CPAD - CHUNK))).reshape(-1, 128)

    emb = _emb_sum(tab128, idx4, P, V, H, NF)
    out_t = _mlp(emb, W1, b1, gamma, beta, H, Ll, Bb)
    return jnp.transpose(out_t, (2, 0, 1))

# --- scband reference (transcript-rebuilt; emitter-appended) ---
"""Pipeline reference for scband-optimized-feature-processor-62551903699507 (READ-ONLY COPY).

The authoritative reference and input builder live on the scoring server;
editing this copy changes nothing except your own understanding.
"""

import jax, jax.numpy as jnp
import numpy as np

B, L, NF, V, H = 1024, 50, 8, 100000, 64

def setup_inputs(seed: int = 0) -> dict:
    key = jax.random.key(seed)
    k1, k2, k3, k4, k5 = jax.random.split(key, 5)
    indices = jax.random.randint(k1, (NF, B, L), 0, V)
    tables = (jax.random.normal(k2, (NF, V, H), dtype=jnp.float32) * 0.02)
    # padding_idx=0 -> row 0 is zeros
    tables = tables.at[:, 0, :].set(0.0)
    W1 = jax.random.normal(k3, (H, H), dtype=jnp.float32) * 0.05
    b1 = jnp.zeros((H,), dtype=jnp.float32)
    gamma = jnp.ones((H,), dtype=jnp.float32)
    beta = jnp.zeros((H,), dtype=jnp.float32)
    return {"tables": tables, "W1": W1, "b1": b1, "gamma": gamma, "beta": beta, "indices": indices}

def reference(tables, W1, b1, gamma, beta, indices):
    # process_sparse_features: per-feature embedding lookup, stack(...).sum(-1),
    # then feature_fusion = Linear -> LayerNorm -> ReLU -> Dropout(eval=identity)
    emb = jnp.zeros((indices.shape[1], indices.shape[2], tables.shape[2]), dtype=jnp.float32)
    for f in range(tables.shape[0]):
        emb = emb + jnp.take(tables[f], indices[f], axis=0)
    h = emb @ W1 + b1
    mu = jnp.mean(h, axis=-1, keepdims=True)
    var = jnp.var(h, axis=-1, keepdims=True)
    hn = (h - mu) / jnp.sqrt(var + 1e-5) * gamma + beta
    return jax.nn.relu(hn)

if __name__ == "__main__":
    import jax
    _d = setup_inputs()
    print(jax.jit(kernel)(*tuple(_d.values())))

</pallas_src>

<mosaic_0001>
#map = affine_map<(d0, d1) -> (0, 0, 0)>
#map1 = affine_map<(d0, d1) -> (0, 0)>
module attributes {stable_mosaic.version = 14 : i64} {
  func.func @emb_kernel(%arg0: i32, %arg1: i32, %arg2: memref<8x100000x128xf32, #tpu.memory_space<hbm>>, %arg3: memref<4096x128xi32, #tpu.memory_space<hbm>>, %arg4: memref<51200x128xf32, #tpu.memory_space<hbm>>, %arg5: memref<16x128xi32, #tpu.memory_space<vmem>>, %arg6: memref<16x128xi32, #tpu.memory_space<vmem>>, %arg7: memref<16x128xi32, #tpu.memory_space<vmem>>, %arg8: memref<16x128xi32, #tpu.memory_space<vmem>>, %arg9: memref<16x128xi32, #tpu.memory_space<vmem>>, %arg10: memref<16x128xi32, #tpu.memory_space<vmem>>, %arg11: memref<16x128xi32, #tpu.memory_space<vmem>>, %arg12: memref<16x128xi32, #tpu.memory_space<vmem>>, %arg13: memref<32x128xf32, #tpu.memory_space<vmem>>, %arg14: memref<32x128xf32, #tpu.memory_space<vmem>>, %arg15: memref<32x128xf32, #tpu.memory_space<vmem>>, %arg16: memref<32x128xf32, #tpu.memory_space<vmem>>, %arg17: memref<32x128xf32, #tpu.memory_space<vmem>>, %arg18: memref<32x128xf32, #tpu.memory_space<vmem>>, %arg19: memref<32x128xf32, #tpu.memory_space<vmem>>, %arg20: memref<32x128xf32, #tpu.memory_space<vmem>>, %arg21: memref<32x128xf32, #tpu.memory_space<vmem>>, %arg22: memref<32x128xf32, #tpu.memory_space<vmem>>, %arg23: memref<32x128xf32, #tpu.memory_space<vmem>>, %arg24: memref<32x128xf32, #tpu.memory_space<vmem>>, %arg25: memref<32x128xf32, #tpu.memory_space<vmem>>, %arg26: memref<32x128xf32, #tpu.memory_space<vmem>>, %arg27: memref<32x128xf32, #tpu.memory_space<vmem>>, %arg28: memref<32x128xf32, #tpu.memory_space<vmem>>, %arg29: memref<!tpu.dma_semaphore, #tpu.memory_space<semaphore_mem>>, %arg30: memref<!tpu.dma_semaphore, #tpu.memory_space<semaphore_mem>>, %arg31: memref<!tpu.dma_semaphore, #tpu.memory_space<semaphore_mem>>) attributes {dimension_semantics = [#tpu.dimension_semantics<core_parallel>, #tpu.dimension_semantics<subcore_parallel>], iteration_bounds = array<i64: 2, 16>, scalar_prefetch = 0 : i64, scratch_operands = 27 : i64, tpu.core_type = #tpu.core_type<sc_vector_subcore>, window_params = [{transform_indices = #map}, {transform_indices = #map1}, {transform_indices = #map1}]} {
    %mul3A = arith.constant 2 : i32
    %mul3A_0 = arith.muli %arg1, %mul3A : i32
    %add3A = arith.addi %mul3A_0, %arg0 : i32
    %mul3A_1 = arith.constant 1600 : i32
    %mul3A_2 = arith.muli %add3A, %mul3A_1 : i32
    %add3A_3 = arith.constant 0 : i32
    %add3A_4 = arith.addi %add3A_3, %add3A : i32
    %mul3A_5 = arith.constant 16 : i32
    %mul3A_6 = arith.muli %add3A_4, %mul3A_5 : i32
    %dma_start3A = arith.constant 0 : i32
    %dma_start3A_7 = tpu.memref_slice %arg3[%mul3A_6, %dma_start3A] : memref<4096x128xi32, #tpu.memory_space<hbm>> -> memref<16x128xi32, #tpu.memory_space<hbm>>
    %dma_start3A_8 = arith.constant 0 : i32
    %dma_start3A_9 = tpu.memref_slice %arg3[%mul3A_6, %dma_start3A_8] : memref<4096x128xi32, #tpu.memory_space<hbm>> -> memref<16x128xi32, #tpu.memory_space<hbm>>
    tpu.enqueue_dma source(%dma_start3A_9 : memref<16x128xi32, #tpu.memory_space<hbm>>) target(%arg5 : memref<16x128xi32, #tpu.memory_space<vmem>>) target_semaphore(%arg29 : memref<!tpu.dma_semaphore, #tpu.memory_space<semaphore_mem>>)
    %add3A_10 = arith.constant 32 : i32
    %add3A_11 = arith.addi %add3A_10, %add3A : i32
    %mul3A_12 = arith.constant 16 : i32
    %mul3A_13 = arith.muli %add3A_11, %mul3A_12 : i32
    %dma_start3A_14 = arith.constant 0 : i32
    %dma_start3A_15 = tpu.memref_slice %arg3[%mul3A_13, %dma_start3A_14] : memref<4096x128xi32, #tpu.memory_space<hbm>> -> memref<16x128xi32, #tpu.memory_space<hbm>>
    %dma_start3A_16 = arith.constant 0 : i32
    %dma_start3A_17 = tpu.memref_slice %arg3[%mul3A_13, %dma_start3A_16] : memref<4096x128xi32, #tpu.memory_space<hbm>> -> memref<16x128xi32, #tpu.memory_space<hbm>>
    tpu.enqueue_dma source(%dma_start3A_17 : memref<16x128xi32, #tpu.memory_space<hbm>>) target(%arg6 : memref<16x128xi32, #tpu.memory_space<vmem>>) target_semaphore(%arg29 : memref<!tpu.dma_semaphore, #tpu.memory_space<semaphore_mem>>)
    %add3A_18 = arith.constant 64 : i32
    %add3A_19 = arith.addi %add3A_18, %add3A : i32
    %mul3A_20 = arith.constant 16 : i32
    %mul3A_21 = arith.muli %add3A_19, %mul3A_20 : i32
    %dma_start3A_22 = arith.constant 0 : i32
    %dma_start3A_23 = tpu.memref_slice %arg3[%mul3A_21, %dma_start3A_22] : memref<4096x128xi32, #tpu.memory_space<hbm>> -> memref<16x128xi32, #tpu.memory_space<hbm>>
    %dma_start3A_24 = arith.constant 0 : i32
    %dma_start3A_25 = tpu.memref_slice %arg3[%mul3A_21, %dma_start3A_24] : memref<4096x128xi32, #tpu.memory_space<hbm>> -> memref<16x128xi32, #tpu.memory_space<hbm>>
    tpu.enqueue_dma source(%dma_start3A_25 : memref<16x128xi32, #tpu.memory_space<hbm>>) target(%arg7 : memref<16x128xi32, #tpu.memory_space<vmem>>) target_semaphore(%arg29 : memref<!tpu.dma_semaphore, #tpu.memory_space<semaphore_mem>>)
    %add3A_26 = arith.constant 96 : i32
    %add3A_27 = arith.addi %add3A_26, %add3A : i32
    %mul3A_28 = arith.constant 16 : i32
    %mul3A_29 = arith.muli %add3A_27, %mul3A_28 : i32
    %dma_start3A_30 = arith.constant 0 : i32
    %dma_start3A_31 = tpu.memref_slice %arg3[%mul3A_29, %dma_start3A_30] : memref<4096x128xi32, #tpu.memory_space<hbm>> -> memref<16x128xi32, #tpu.memory_space<hbm>>
    %dma_start3A_32 = arith.constant 0 : i32
    %dma_start3A_33 = tpu.memref_slice %arg3[%mul3A_29, %dma_start3A_32] : memref<4096x128xi32, #tpu.memory_space<hbm>> -> memref<16x128xi32, #tpu.memory_space<hbm>>
    tpu.enqueue_dma source(%dma_start3A_33 : memref<16x128xi32, #tpu.memory_space<hbm>>) target(%arg8 : memref<16x128xi32, #tpu.memory_space<vmem>>) target_semaphore(%arg29 : memref<!tpu.dma_semaphore, #tpu.memory_space<semaphore_mem>>)
    %add3A_34 = arith.constant 128 : i32
    %add3A_35 = arith.addi %add3A_34, %add3A : i32
    %mul3A_36 = arith.constant 16 : i32
    %mul3A_37 = arith.muli %add3A_35, %mul3A_36 : i32
    %dma_start3A_38 = arith.constant 0 : i32
    %dma_start3A_39 = tpu.memref_slice %arg3[%mul3A_37, %dma_start3A_38] : memref<4096x128xi32, #tpu.memory_space<hbm>> -> memref<16x128xi32, #tpu.memory_space<hbm>>
    %dma_start3A_40 = arith.constant 0 : i32
    %dma_start3A_41 = tpu.memref_slice %arg3[%mul3A_37, %dma_start3A_40] : memref<4096x128xi32, #tpu.memory_space<hbm>> -> memref<16x128xi32, #tpu.memory_space<hbm>>
    tpu.enqueue_dma source(%dma_start3A_41 : memref<16x128xi32, #tpu.memory_space<hbm>>) target(%arg9 : memref<16x128xi32, #tpu.memory_space<vmem>>) target_semaphore(%arg29 : memref<!tpu.dma_semaphore, #tpu.memory_space<semaphore_mem>>)
    %add3A_42 = arith.constant 160 : i32
    %add3A_43 = arith.addi %add3A_42, %add3A : i32
    %mul3A_44 = arith.constant 16 : i32
    %mul3A_45 = arith.muli %add3A_43, %mul3A_44 : i32
    %dma_start3A_46 = arith.constant 0 : i32
    %dma_start3A_47 = tpu.memref_slice %arg3[%mul3A_45, %dma_start3A_46] : memref<4096x128xi32, #tpu.memory_space<hbm>> -> memref<16x128xi32, #tpu.memory_space<hbm>>
    %dma_start3A_48 = arith.constant 0 : i32
    %dma_start3A_49 = tpu.memref_slice %arg3[%mul3A_45, %dma_start3A_48] : memref<4096x128xi32, #tpu.memory_space<hbm>> -> memref<16x128xi32, #tpu.memory_space<hbm>>
    tpu.enqueue_dma source(%dma_start3A_49 : memref<16x128xi32, #tpu.memory_space<hbm>>) target(%arg10 : memref<16x128xi32, #tpu.memory_space<vmem>>) target_semaphore(%arg29 : memref<!tpu.dma_semaphore, #tpu.memory_space<semaphore_mem>>)
    %add3A_50 = arith.constant 192 : i32
    %add3A_51 = arith.addi %add3A_50, %add3A : i32
    %mul3A_52 = arith.constant 16 : i32
    %mul3A_53 = arith.muli %add3A_51, %mul3A_52 : i32
    %dma_start3A_54 = arith.constant 0 : i32
    %dma_start3A_55 = tpu.memref_slice %arg3[%mul3A_53, %dma_start3A_54] : memref<4096x128xi32, #tpu.memory_space<hbm>> -> memref<16x128xi32, #tpu.memory_space<hbm>>
    %dma_start3A_56 = arith.constant 0 : i32
    %dma_start3A_57 = tpu.memref_slice %arg3[%mul3A_53, %dma_start3A_56] : memref<4096x128xi32, #tpu.memory_space<hbm>> -> memref<16x128xi32, #tpu.memory_space<hbm>>
    tpu.enqueue_dma source(%dma_start3A_57 : memref<16x128xi32, #tpu.memory_space<hbm>>) target(%arg11 : memref<16x128xi32, #tpu.memory_space<vmem>>) target_semaphore(%arg29 : memref<!tpu.dma_semaphore, #tpu.memory_space<semaphore_mem>>)
    %add3A_58 = arith.constant 224 : i32
    %add3A_59 = arith.addi %add3A_58, %add3A : i32
    %mul3A_60 = arith.constant 16 : i32
    %mul3A_61 = arith.muli %add3A_59, %mul3A_60 : i32
    %dma_start3A_62 = arith.constant 0 : i32
    %dma_start3A_63 = tpu.memref_slice %arg3[%mul3A_61, %dma_start3A_62] : memref<4096x128xi32, #tpu.memory_space<hbm>> -> memref<16x128xi32, #tpu.memory_space<hbm>>
    %dma_start3A_64 = arith.constant 0 : i32
    %dma_start3A_65 = tpu.memref_slice %arg3[%mul3A_61, %dma_start3A_64] : memref<4096x128xi32, #tpu.memory_space<hbm>> -> memref<16x128xi32, #tpu.memory_space<hbm>>
    tpu.enqueue_dma source(%dma_start3A_65 : memref<16x128xi32, #tpu.memory_space<hbm>>) target(%arg12 : memref<16x128xi32, #tpu.memory_space<vmem>>) target_semaphore(%arg29 : memref<!tpu.dma_semaphore, #tpu.memory_space<semaphore_mem>>)
    %dma_wait3A = arith.constant 0 : i32
    %dma_wait3A_66 = tpu.memref_slice %arg3[%mul3A_6, %dma_wait3A] : memref<4096x128xi32, #tpu.memory_space<hbm>> -> memref<16x128xi32, #tpu.memory_space<hbm>>
    %dma_wait3A_67 = arith.constant 0 : i32
    %dma_wait3A_68 = tpu.memref_slice %arg3[%mul3A_6, %dma_wait3A_67] : memref<4096x128xi32, #tpu.memory_space<hbm>> -> memref<16x128xi32, #tpu.memory_space<hbm>>
    tpu.wait_dma2 semaphore(%arg29 : memref<!tpu.dma_semaphore, #tpu.memory_space<semaphore_mem>>) src(%dma_wait3A_68 : memref<16x128xi32, #tpu.memory_space<hbm>>) dst(%arg5 : memref<16x128xi32, #tpu.memory_space<vmem>>)
    %dma_wait3A_69 = arith.constant 0 : i32
    %dma_wait3A_70 = tpu.memref_slice %arg3[%mul3A_13, %dma_wait3A_69] : memref<4096x128xi32, #tpu.memory_space<hbm>> -> memref<16x128xi32, #tpu.memory_space<hbm>>
    %dma_wait3A_71 = arith.constant 0 : i32
    %dma_wait3A_72 = tpu.memref_slice %arg3[%mul3A_13, %dma_wait3A_71] : memref<4096x128xi32, #tpu.memory_space<hbm>> -> memref<16x128xi32, #tpu.memory_space<hbm>>
    tpu.wait_dma2 semaphore(%arg29 : memref<!tpu.dma_semaphore, #tpu.memory_space<semaphore_mem>>) src(%dma_wait3A_72 : memref<16x128xi32, #tpu.memory_space<hbm>>) dst(%arg6 : memref<16x128xi32, #tpu.memory_space<vmem>>)
    %dma_wait3A_73 = arith.constant 0 : i32
    %dma_wait3A_74 = tpu.memref_slice %arg3[%mul3A_21, %dma_wait3A_73] : memref<4096x128xi32, #tpu.memory_space<hbm>> -> memref<16x128xi32, #tpu.memory_space<hbm>>
    %dma_wait3A_75 = arith.constant 0 : i32
    %dma_wait3A_76 = tpu.memref_slice %arg3[%mul3A_21, %dma_wait3A_75] : memref<4096x128xi32, #tpu.memory_space<hbm>> -> memref<16x128xi32, #tpu.memory_space<hbm>>
    tpu.wait_dma2 semaphore(%arg29 : memref<!tpu.dma_semaphore, #tpu.memory_space<semaphore_mem>>) src(%dma_wait3A_76 : memref<16x128xi32, #tpu.memory_space<hbm>>) dst(%arg7 : memref<16x128xi32, #tpu.memory_space<vmem>>)
    %dma_wait3A_77 = arith.constant 0 : i32
    %dma_wait3A_78 = tpu.memref_slice %arg3[%mul3A_29, %dma_wait3A_77] : memref<4096x128xi32, #tpu.memory_space<hbm>> -> memref<16x128xi32, #tpu.memory_space<hbm>>
    %dma_wait3A_79 = arith.constant 0 : i32
    %dma_wait3A_80 = tpu.memref_slice %arg3[%mul3A_29, %dma_wait3A_79] : memref<4096x128xi32, #tpu.memory_space<hbm>> -> memref<16x128xi32, #tpu.memory_space<hbm>>
    tpu.wait_dma2 semaphore(%arg29 : memref<!tpu.dma_semaphore, #tpu.memory_space<semaphore_mem>>) src(%dma_wait3A_80 : memref<16x128xi32, #tpu.memory_space<hbm>>) dst(%arg8 : memref<16x128xi32, #tpu.memory_space<vmem>>)
    %dma_wait3A_81 = arith.constant 0 : i32
    %dma_wait3A_82 = tpu.memref_slice %arg3[%mul3A_37, %dma_wait3A_81] : memref<4096x128xi32, #tpu.memory_space<hbm>> -> memref<16x128xi32, #tpu.memory_space<hbm>>
    %dma_wait3A_83 = arith.constant 0 : i32
    %dma_wait3A_84 = tpu.memref_slice %arg3[%mul3A_37, %dma_wait3A_83] : memref<4096x128xi32, #tpu.memory_space<hbm>> -> memref<16x128xi32, #tpu.memory_space<hbm>>
    tpu.wait_dma2 semaphore(%arg29 : memref<!tpu.dma_semaphore, #tpu.memory_space<semaphore_mem>>) src(%dma_wait3A_84 : memref<16x128xi32, #tpu.memory_space<hbm>>) dst(%arg9 : memref<16x128xi32, #tpu.memory_space<vmem>>)
    %dma_wait3A_85 = arith.constant 0 : i32
    %dma_wait3A_86 = tpu.memref_slice %arg3[%mul3A_45, %dma_wait3A_85] : memref<4096x128xi32, #tpu.memory_space<hbm>> -> memref<16x128xi32, #tpu.memory_space<hbm>>
    %dma_wait3A_87 = arith.constant 0 : i32
    %dma_wait3A_88 = tpu.memref_slice %arg3[%mul3A_45, %dma_wait3A_87] : memref<4096x128xi32, #tpu.memory_space<hbm>> -> memref<16x128xi32, #tpu.memory_space<hbm>>
    tpu.wait_dma2 semaphore(%arg29 : memref<!tpu.dma_semaphore, #tpu.memory_space<semaphore_mem>>) src(%dma_wait3A_88 : memref<16x128xi32, #tpu.memory_space<hbm>>) dst(%arg10 : memref<16x128xi32, #tpu.memory_space<vmem>>)
    %dma_wait3A_89 = arith.constant 0 : i32
    %dma_wait3A_90 = tpu.memref_slice %arg3[%mul3A_53, %dma_wait3A_89] : memref<4096x128xi32, #tpu.memory_space<hbm>> -> memref<16x128xi32, #tpu.memory_space<hbm>>
    %dma_wait3A_91 = arith.constant 0 : i32
    %dma_wait3A_92 = tpu.memref_slice %arg3[%mul3A_53, %dma_wait3A_91] : memref<4096x128xi32, #tpu.memory_space<hbm>> -> memref<16x128xi32, #tpu.memory_space<hbm>>
    tpu.wait_dma2 semaphore(%arg29 : memref<!tpu.dma_semaphore, #tpu.memory_space<semaphore_mem>>) src(%dma_wait3A_92 : memref<16x128xi32, #tpu.memory_space<hbm>>) dst(%arg11 : memref<16x128xi32, #tpu.memory_space<vmem>>)
    %dma_wait3A_93 = arith.constant 0 : i32
    %dma_wait3A_94 = tpu.memref_slice %arg3[%mul3A_61, %dma_wait3A_93] : memref<4096x128xi32, #tpu.memory_space<hbm>> -> memref<16x128xi32, #tpu.memory_space<hbm>>
    %dma_wait3A_95 = arith.constant 0 : i32
    %dma_wait3A_96 = tpu.memref_slice %arg3[%mul3A_61, %dma_wait3A_95] : memref<4096x128xi32, #tpu.memory_space<hbm>> -> memref<16x128xi32, #tpu.memory_space<hbm>>
    tpu.wait_dma2 semaphore(%arg29 : memref<!tpu.dma_semaphore, #tpu.memory_space<semaphore_mem>>) src(%dma_wait3A_96 : memref<16x128xi32, #tpu.memory_space<hbm>>) dst(%arg12 : memref<16x128xi32, #tpu.memory_space<vmem>>)
    %dma_start3A_97 = arith.constant 0 : i32
    %dma_start3A_98 = arith.constant 0 : i32
    %dma_start3A_99 = arith.constant 0 : i32
    %dma_start3A_100 = tpu.memref_slice %arg5[%dma_start3A_98, %dma_start3A_99] : memref<16x128xi32, #tpu.memory_space<vmem>> -> memref<1x32xi32, #tpu.memory_space<vmem>>
    %dma_start3A_101 = tpu.memref_squeeze %dma_start3A_100 : memref<1x32xi32, #tpu.memory_space<vmem>> -> memref<32xi32, #tpu.memory_space<vmem>>
    %dma_start3A_102 = arith.constant 0 : i32
    %dma_start3A_103 = arith.constant 0 : i32
    %dma_start3A_104 = tpu.memref_slice %arg2[%dma_start3A_97, %dma_start3A_102, %dma_start3A_103] : memref<8x100000x128xf32, #tpu.memory_space<hbm>> -> memref<1x100000x128xf32, #tpu.memory_space<hbm>>
    %dma_start3A_105 = tpu.memref_squeeze %dma_start3A_104 : memref<1x100000x128xf32, #tpu.memory_space<hbm>> -> memref<100000x128xf32, #tpu.memory_space<hbm>>
    %dma_start3A_106 = arith.constant 0 : i32
    %dma_start3A_107 = arith.constant 0 : i32
    %dma_start3A_108 = tpu.memref_slice %dma_start3A_105[%dma_start3A_106, %dma_start3A_107] : memref<100000x128xf32, #tpu.memory_space<hbm>> -> memref<100000x128xf32, #tpu.memory_space<hbm>>
    tpu.enqueue_indirect_dma source(%dma_start3A_108 : memref<100000x128xf32, #tpu.memory_space<hbm>>) target(%arg13 : memref<32x128xf32, #tpu.memory_space<vmem>>) offsets(%dma_start3A_101 : memref<32xi32, #tpu.memory_space<vmem>>) semaphore(%arg30 : memref<!tpu.dma_semaphore, #tpu.memory_space<semaphore_mem>>)
    %dma_start3A_109 = arith.constant 1 : i32
    %dma_start3A_110 = arith.constant 0 : i32
    %dma_start3A_111 = arith.constant 0 : i32
    %dma_start3A_112 = tpu.memref_slice %arg6[%dma_start3A_110, %dma_start3A_111] : memref<16x128xi32, #tpu.memory_space<vmem>> -> memref<1x32xi32, #tpu.memory_space<vmem>>
    %dma_start3A_113 = tpu.memref_squeeze %dma_start3A_112 : memref<1x32xi32, #tpu.memory_space<vmem>> -> memref<32xi32, #tpu.memory_space<vmem>>
    %dma_start3A_114 = arith.constant 0 : i32
    %dma_start3A_115 = arith.constant 0 : i32
    %dma_start3A_116 = tpu.memref_slice %arg2[%dma_start3A_109, %dma_start3A_114, %dma_start3A_115] : memref<8x100000x128xf32, #tpu.memory_space<hbm>> -> memref<1x100000x128xf32, #tpu.memory_space<hbm>>
    %dma_start3A_117 = tpu.memref_squeeze %dma_start3A_116 : memref<1x100000x128xf32, #tpu.memory_space<hbm>> -> memref<100000x128xf32, #tpu.memory_space<hbm>>
    %dma_start3A_118 = arith.constant 0 : i32
    %dma_start3A_119 = arith.constant 0 : i32
    %dma_start3A_120 = tpu.memref_slice %dma_start3A_117[%dma_start3A_118, %dma_start3A_119] : memref<100000x128xf32, #tpu.memory_space<hbm>> -> memref<100000x128xf32, #tpu.memory_space<hbm>>
    tpu.enqueue_indirect_dma source(%dma_start3A_120 : memref<100000x128xf32, #tpu.memory_space<hbm>>) target(%arg14 : memref<32x128xf32, #tpu.memory_space<vmem>>) offsets(%dma_start3A_113 : memref<32xi32, #tpu.memory_space<vmem>>) semaphore(%arg30 : memref<!tpu.dma_semaphore, #tpu.memory_space<semaphore_mem>>)
    %dma_start3A_121 = arith.constant 2 : i32
    %dma_start3A_122 = arith.constant 0 : i32
    %dma_start3A_123 = arith.constant 0 : i32
    %dma_start3A_124 = tpu.memref_slice %arg7[%dma_start3A_122, %dma_start3A_123] : memref<16x128xi32, #tpu.memory_space<vmem>> -> memref<1x32xi32, #tpu.memory_space<vmem>>
    %dma_start3A_125 = tpu.memref_squeeze %dma_start3A_124 : memref<1x32xi32, #tpu.memory_space<vmem>> -> memref<32xi32, #tpu.memory_space<vmem>>
    %dma_start3A_126 = arith.constant 0 : i32
    %dma_start3A_127 = arith.constant 0 : i32
    %dma_start3A_128 = tpu.memref_slice %arg2[%dma_start3A_121, %dma_start3A_126, %dma_start3A_127] : memref<8x100000x128xf32, #tpu.memory_space<hbm>> -> memref<1x100000x128xf32, #tpu.memory_space<hbm>>
    %dma_start3A_129 = tpu.memref_squeeze %dma_start3A_128 : memref<1x100000x128xf32, #tpu.memory_space<hbm>> -> memref<100000x128xf32, #tpu.memory_space<hbm>>
    %dma_start3A_130 = arith.constant 0 : i32
    %dma_start3A_131 = arith.constant 0 : i32
    %dma_start3A_132 = tpu.memref_slice %dma_start3A_129[%dma_start3A_130, %dma_start3A_131] : memref<100000x128xf32, #tpu.memory_space<hbm>> -> memref<100000x128xf32, #tpu.memory_space<hbm>>
    tpu.enqueue_indirect_dma source(%dma_start3A_132 : memref<100000x128xf32, #tpu.memory_space<hbm>>) target(%arg15 : memref<32x128xf32, #tpu.memory_space<vmem>>) offsets(%dma_start3A_125 : memref<32xi32, #tpu.memory_space<vmem>>) semaphore(%arg30 : memref<!tpu.dma_semaphore, #tpu.memory_space<semaphore_mem>>)
    %dma_start3A_133 = arith.constant 3 : i32
    %dma_start3A_134 = arith.constant 0 : i32
    %dma_start3A_135 = arith.constant 0 : i32
    %dma_start3A_136 = tpu.memref_slice %arg8[%dma_start3A_134, %dma_start3A_135] : memref<16x128xi32, #tpu.memory_space<vmem>> -> memref<1x32xi32, #tpu.memory_space<vmem>>
    %dma_start3A_137 = tpu.memref_squeeze %dma_start3A_136 : memref<1x32xi32, #tpu.memory_space<vmem>> -> memref<32xi32, #tpu.memory_space<vmem>>
    %dma_start3A_138 = arith.constant 0 : i32
    %dma_start3A_139 = arith.constant 0 : i32
    %dma_start3A_140 = tpu.memref_slice %arg2[%dma_start3A_133, %dma_start3A_138, %dma_start3A_139] : memref<8x100000x128xf32, #tpu.memory_space<hbm>> -> memref<1x100000x128xf32, #tpu.memory_space<hbm>>
    %dma_start3A_141 = tpu.memref_squeeze %dma_start3A_140 : memref<1x100000x128xf32, #tpu.memory_space<hbm>> -> memref<100000x128xf32, #tpu.memory_space<hbm>>
    %dma_start3A_142 = arith.constant 0 : i32
    %dma_start3A_143 = arith.constant 0 : i32
    %dma_start3A_144 = tpu.memref_slice %dma_start3A_141[%dma_start3A_142, %dma_start3A_143] : memref<100000x128xf32, #tpu.memory_space<hbm>> -> memref<100000x128xf32, #tpu.memory_space<hbm>>
    tpu.enqueue_indirect_dma source(%dma_start3A_144 : memref<100000x128xf32, #tpu.memory_space<hbm>>) target(%arg16 : memref<32x128xf32, #tpu.memory_space<vmem>>) offsets(%dma_start3A_137 : memref<32xi32, #tpu.memory_space<vmem>>) semaphore(%arg30 : memref<!tpu.dma_semaphore, #tpu.memory_space<semaphore_mem>>)
    %dma_start3A_145 = arith.constant 4 : i32
    %dma_start3A_146 = arith.constant 0 : i32
    %dma_start3A_147 = arith.constant 0 : i32
    %dma_start3A_148 = tpu.memref_slice %arg9[%dma_start3A_146, %dma_start3A_147] : memref<16x128xi32, #tpu.memory_space<vmem>> -> memref<1x32xi32, #tpu.memory_space<vmem>>
    %dma_start3A_149 = tpu.memref_squeeze %dma_start3A_148 : memref<1x32xi32, #tpu.memory_space<vmem>> -> memref<32xi32, #tpu.memory_space<vmem>>
    %dma_start3A_150 = arith.constant 0 : i32
    %dma_start3A_151 = arith.constant 0 : i32
    %dma_start3A_152 = tpu.memref_slice %arg2[%dma_start3A_145, %dma_start3A_150, %dma_start3A_151] : memref<8x100000x128xf32, #tpu.memory_space<hbm>> -> memref<1x100000x128xf32, #tpu.memory_space<hbm>>
    %dma_start3A_153 = tpu.memref_squeeze %dma_start3A_152 : memref<1x100000x128xf32, #tpu.memory_space<hbm>> -> memref<100000x128xf32, #tpu.memory_space<hbm>>
    %dma_start3A_154 = arith.constant 0 : i32
    %dma_start3A_155 = arith.constant 0 : i32
    %dma_start3A_156 = tpu.memref_slice %dma_start3A_153[%dma_start3A_154, %dma_start3A_155] : memref<100000x128xf32, #tpu.memory_space<hbm>> -> memref<100000x128xf32, #tpu.memory_space<hbm>>
    tpu.enqueue_indirect_dma source(%dma_start3A_156 : memref<100000x128xf32, #tpu.memory_space<hbm>>) target(%arg17 : memref<32x128xf32, #tpu.memory_space<vmem>>) offsets(%dma_start3A_149 : memref<32xi32, #tpu.memory_space<vmem>>) semaphore(%arg30 : memref<!tpu.dma_semaphore, #tpu.memory_space<semaphore_mem>>)
    %dma_start3A_157 = arith.constant 5 : i32
    %dma_start3A_158 = arith.constant 0 : i32
    %dma_start3A_159 = arith.constant 0 : i32
    %dma_start3A_160 = tpu.memref_slice %arg10[%dma_start3A_158, %dma_start3A_159] : memref<16x128xi32, #tpu.memory_space<vmem>> -> memref<1x32xi32, #tpu.memory_space<vmem>>
    %dma_start3A_161 = tpu.memref_squeeze %dma_start3A_160 : memref<1x32xi32, #tpu.memory_space<vmem>> -> memref<32xi32, #tpu.memory_space<vmem>>
    %dma_start3A_162 = arith.constant 0 : i32
    %dma_start3A_163 = arith.constant 0 : i32
    %dma_start3A_164 = tpu.memref_slice %arg2[%dma_start3A_157, %dma_start3A_162, %dma_start3A_163] : memref<8x100000x128xf32, #tpu.memory_space<hbm>> -> memref<1x100000x128xf32, #tpu.memory_space<hbm>>
    %dma_start3A_165 = tpu.memref_squeeze %dma_start3A_164 : memref<1x100000x128xf32, #tpu.memory_space<hbm>> -> memref<100000x128xf32, #tpu.memory_space<hbm>>
    %dma_start3A_166 = arith.constant 0 : i32
    %dma_start3A_167 = arith.constant 0 : i32
    %dma_start3A_168 = tpu.memref_slice %dma_start3A_165[%dma_start3A_166, %dma_start3A_167] : memref<100000x128xf32, #tpu.memory_space<hbm>> -> memref<100000x128xf32, #tpu.memory_space<hbm>>
    tpu.enqueue_indirect_dma source(%dma_start3A_168 : memref<100000x128xf32, #tpu.memory_space<hbm>>) target(%arg18 : memref<32x128xf32, #tpu.memory_space<vmem>>) offsets(%dma_start3A_161 : memref<32xi32, #tpu.memory_space<vmem>>) semaphore(%arg30 : memref<!tpu.dma_semaphore, #tpu.memory_space<semaphore_mem>>)
    %dma_start3A_169 = arith.constant 6 : i32
    %dma_start3A_170 = arith.constant 0 : i32
    %dma_start3A_171 = arith.constant 0 : i32
    %dma_start3A_172 = tpu.memref_slice %arg11[%dma_start3A_170, %dma_start3A_171] : memref<16x128xi32, #tpu.memory_space<vmem>> -> memref<1x32xi32, #tpu.memory_space<vmem>>
    %dma_start3A_173 = tpu.memref_squeeze %dma_start3A_172 : memref<1x32xi32, #tpu.memory_space<vmem>> -> memref<32xi32, #tpu.memory_space<vmem>>
    %dma_start3A_174 = arith.constant 0 : i32
    %dma_start3A_175 = arith.constant 0 : i32
    %dma_start3A_176 = tpu.memref_slice %arg2[%dma_start3A_169, %dma_start3A_174, %dma_start3A_175] : memref<8x100000x128xf32, #tpu.memory_space<hbm>> -> memref<1x100000x128xf32, #tpu.memory_space<hbm>>
    %dma_start3A_177 = tpu.memref_squeeze %dma_start3A_176 : memref<1x100000x128xf32, #tpu.memory_space<hbm>> -> memref<100000x128xf32, #tpu.memory_space<hbm>>
    %dma_start3A_178 = arith.constant 0 : i32
    %dma_start3A_179 = arith.constant 0 : i32
    %dma_start3A_180 = tpu.memref_slice %dma_start3A_177[%dma_start3A_178, %dma_start3A_179] : memref<100000x128xf32, #tpu.memory_space<hbm>> -> memref<100000x128xf32, #tpu.memory_space<hbm>>
    tpu.enqueue_indirect_dma source(%dma_start3A_180 : memref<100000x128xf32, #tpu.memory_space<hbm>>) target(%arg19 : memref<32x128xf32, #tpu.memory_space<vmem>>) offsets(%dma_start3A_173 : memref<32xi32, #tpu.memory_space<vmem>>) semaphore(%arg30 : memref<!tpu.dma_semaphore, #tpu.memory_space<semaphore_mem>>)
    %dma_start3A_181 = arith.constant 7 : i32
    %dma_start3A_182 = arith.constant 0 : i32
    %dma_start3A_183 = arith.constant 0 : i32
    %dma_start3A_184 = tpu.memref_slice %arg12[%dma_start3A_182, %dma_start3A_183] : memref<16x128xi32, #tpu.memory_space<vmem>> -> memref<1x32xi32, #tpu.memory_space<vmem>>
    %dma_start3A_185 = tpu.memref_squeeze %dma_start3A_184 : memref<1x32xi32, #tpu.memory_space<vmem>> -> memref<32xi32, #tpu.memory_space<vmem>>
    %dma_start3A_186 = arith.constant 0 : i32
    %dma_start3A_187 = arith.constant 0 : i32
    %dma_start3A_188 = tpu.memref_slice %arg2[%dma_start3A_181, %dma_start3A_186, %dma_start3A_187] : memref<8x100000x128xf32, #tpu.memory_space<hbm>> -> memref<1x100000x128xf32, #tpu.memory_space<hbm>>
    %dma_start3A_189 = tpu.memref_squeeze %dma_start3A_188 : memref<1x100000x128xf32, #tpu.memory_space<hbm>> -> memref<100000x128xf32, #tpu.memory_space<hbm>>
    %dma_start3A_190 = arith.constant 0 : i32
    %dma_start3A_191 = arith.constant 0 : i32
    %dma_start3A_192 = tpu.memref_slice %dma_start3A_189[%dma_start3A_190, %dma_start3A_191] : memref<100000x128xf32, #tpu.memory_space<hbm>> -> memref<100000x128xf32, #tpu.memory_space<hbm>>
    tpu.enqueue_indirect_dma source(%dma_start3A_192 : memref<100000x128xf32, #tpu.memory_space<hbm>>) target(%arg20 : memref<32x128xf32, #tpu.memory_space<vmem>>) offsets(%dma_start3A_185 : memref<32xi32, #tpu.memory_space<vmem>>) semaphore(%arg30 : memref<!tpu.dma_semaphore, #tpu.memory_space<semaphore_mem>>)
    %scan3A = arith.constant 0 : i32
    %scan3A_193 = arith.constant 25 : i32
    %scan3A_194 = arith.addi %scan3A, %scan3A_193 : i32
    %scan3A_195 = arith.constant 1 : i32
    scf.for %scan3A_197 = %scan3A to %scan3A_194 step %scan3A_195  : i32 {
      %mul3A_198 = arith.constant 1 : i32
      %mul3A_199 = arith.muli %scan3A_197, %mul3A_198 : i32
      %add3A_200 = arith.constant 0 : i32
      %add3A_201 = arith.addi %add3A_200, %mul3A_199 : i32
      %mul3A_202 = arith.constant 2 : i32
      %mul3A_203 = arith.muli %mul3A_202, %add3A_201 : i32
      %add3A_204 = arith.constant 1 : i32
      %add3A_205 = arith.addi %mul3A_203, %add3A_204 : i32
      %jit3A = arith.constant 4 : i32
      %div3A = arith.divsi %add3A_205, %jit3A : i32
      %sign3A = arith.constant 0 : i32
      %sign3A_206 = arith.cmpi sgt, %add3A_205, %sign3A : i32
      %sign3A_207 = arith.extui %sign3A_206 : i1 to i32
      %sign3A_208 = arith.constant 0 : i32
      %sign3A_209 = arith.cmpi slt, %add3A_205, %sign3A_208 : i32
      %sign3A_210 = arith.extui %sign3A_209 : i1 to i32
      %sign3A_211 = arith.subi %sign3A_207, %sign3A_210 : i32
      %sign3A_212 = arith.constant 0 : i32
      %sign3A_213 = arith.cmpi sgt, %jit3A, %sign3A_212 : i32
      %sign3A_214 = arith.extui %sign3A_213 : i1 to i32
      %sign3A_215 = arith.constant 0 : i32
      %sign3A_216 = arith.cmpi slt, %jit3A, %sign3A_215 : i32
      %sign3A_217 = arith.extui %sign3A_216 : i1 to i32
      %sign3A_218 = arith.subi %sign3A_214, %sign3A_217 : i32
      %ne3A = arith.cmpi ne, %sign3A_211, %sign3A_218 : i32
      %rem3A = arith.remsi %add3A_205, %jit3A : i32
      %ne3A_219 = arith.constant 0 : i32
      %ne3A_220 = arith.cmpi ne, %rem3A, %ne3A_219 : i32
      %and3A = arith.andi %ne3A, %ne3A_220 : i1
      %sub3A = arith.constant 1 : i32
      %sub3A_221 = arith.subi %div3A, %sub3A : i32
      %select_n3A = arith.select %and3A, %sub3A_221, %div3A : i32
      %jit3A_222 = arith.constant 4 : i32
      %eq3A = arith.constant 0 : i32
      %eq3A_223 = arith.cmpi eq, %jit3A_222, %eq3A : i32
      %jit3A_224 = arith.constant 1 : i32
      %select_n3A_225 = arith.select %eq3A_223, %jit3A_224, %jit3A_222 : i32
      %rem3A_226 = arith.remsi %add3A_205, %select_n3A_225 : i32
      %ne3A_227 = arith.constant 0 : i32
      %ne3A_228 = arith.cmpi ne, %rem3A_226, %ne3A_227 : i32
      %lt3A = arith.constant 0 : i32
      %lt3A_229 = arith.cmpi slt, %rem3A_226, %lt3A : i32
      %lt3A_230 = arith.constant 0 : i32
      %lt3A_231 = arith.cmpi slt, %select_n3A_225, %lt3A_230 : i32
      %ne3A_232 = arith.xori %lt3A_229, %lt3A_231 : i1
      %and3A_233 = arith.andi %ne3A_232, %ne3A_228 : i1
      %add3A_234 = arith.addi %rem3A_226, %select_n3A_225 : i32
      %select_n3A_235 = arith.select %and3A_233, %add3A_234, %rem3A_226 : i32
      %mul3A_236 = arith.constant 32 : i32
      %mul3A_237 = arith.muli %select_n3A_235, %mul3A_236 : i32
      %dma_start3A_238 = arith.constant 0 : i32
      %dma_start3A_239 = tpu.memref_slice %arg5[%select_n3A, %mul3A_237] : memref<16x128xi32, #tpu.memory_space<vmem>> -> memref<1x32xi32, #tpu.memory_space<vmem>>
      %dma_start3A_240 = tpu.memref_squeeze %dma_start3A_239 : memref<1x32xi32, #tpu.memory_space<vmem>> -> memref<32xi32, #tpu.memory_space<vmem>>
      %dma_start3A_241 = arith.constant 0 : i32
      %dma_start3A_242 = arith.constant 0 : i32
      %dma_start3A_243 = tpu.memref_slice %arg2[%dma_start3A_238, %dma_start3A_241, %dma_start3A_242] : memref<8x100000x128xf32, #tpu.memory_space<hbm>> -> memref<1x100000x128xf32, #tpu.memory_space<hbm>>
      %dma_start3A_244 = tpu.memref_squeeze %dma_start3A_243 : memref<1x100000x128xf32, #tpu.memory_space<hbm>> -> memref<100000x128xf32, #tpu.memory_space<hbm>>
      %dma_start3A_245 = arith.constant 0 : i32
      %dma_start3A_246 = arith.constant 0 : i32
      %dma_start3A_247 = tpu.memref_slice %dma_start3A_244[%dma_start3A_245, %dma_start3A_246] : memref<100000x128xf32, #tpu.memory_space<hbm>> -> memref<100000x128xf32, #tpu.memory_space<hbm>>
      tpu.enqueue_indirect_dma source(%dma_start3A_247 : memref<100000x128xf32, #tpu.memory_space<hbm>>) target(%arg21 : memref<32x128xf32, #tpu.memory_space<vmem>>) offsets(%dma_start3A_240 : memref<32xi32, #tpu.memory_space<vmem>>) semaphore(%arg31 : memref<!tpu.dma_semaphore, #tpu.memory_space<semaphore_mem>>)
      %dma_start3A_248 = arith.constant 1 : i32
      %dma_start3A_249 = tpu.memref_slice %arg6[%select_n3A, %mul3A_237] : memref<16x128xi32, #tpu.memory_space<vmem>> -> memref<1x32xi32, #tpu.memory_space<vmem>>
      %dma_start3A_250 = tpu.memref_squeeze %dma_start3A_249 : memref<1x32xi32, #tpu.memory_space<vmem>> -> memref<32xi32, #tpu.memory_space<vmem>>
      %dma_start3A_251 = arith.constant 0 : i32
      %dma_start3A_252 = arith.constant 0 : i32
      %dma_start3A_253 = tpu.memref_slice %arg2[%dma_start3A_248, %dma_start3A_251, %dma_start3A_252] : memref<8x100000x128xf32, #tpu.memory_space<hbm>> -> memref<1x100000x128xf32, #tpu.memory_space<hbm>>
      %dma_start3A_254 = tpu.memref_squeeze %dma_start3A_253 : memref<1x100000x128xf32, #tpu.memory_space<hbm>> -> memref<100000x128xf32, #tpu.memory_space<hbm>>
      %dma_start3A_255 = arith.constant 0 : i32
      %dma_start3A_256 = arith.constant 0 : i32
      %dma_start3A_257 = tpu.memref_slice %dma_start3A_254[%dma_start3A_255, %dma_start3A_256] : memref<100000x128xf32, #tpu.memory_space<hbm>> -> memref<100000x128xf32, #tpu.memory_space<hbm>>
      tpu.enqueue_indirect_dma source(%dma_start3A_257 : memref<100000x128xf32, #tpu.memory_space<hbm>>) target(%arg22 : memref<32x128xf32, #tpu.memory_space<vmem>>) offsets(%dma_start3A_250 : memref<32xi32, #tpu.memory_space<vmem>>) semaphore(%arg31 : memref<!tpu.dma_semaphore, #tpu.memory_space<semaphore_mem>>)
      %dma_start3A_258 = arith.constant 2 : i32
      %dma_start3A_259 = tpu.memref_slice %arg7[%select_n3A, %mul3A_237] : memref<16x128xi32, #tpu.memory_space<vmem>> -> memref<1x32xi32, #tpu.memory_space<vmem>>
      %dma_start3A_260 = tpu.memref_squeeze %dma_start3A_259 : memref<1x32xi32, #tpu.memory_space<vmem>> -> memref<32xi32, #tpu.memory_space<vmem>>
      %dma_start3A_261 = arith.constant 0 : i32
      %dma_start3A_262 = arith.constant 0 : i32
      %dma_start3A_263 = tpu.memref_slice %arg2[%dma_start3A_258, %dma_start3A_261, %dma_start3A_262] : memref<8x100000x128xf32, #tpu.memory_space<hbm>> -> memref<1x100000x128xf32, #tpu.memory_space<hbm>>
      %dma_start3A_264 = tpu.memref_squeeze %dma_start3A_263 : memref<1x100000x128xf32, #tpu.memory_space<hbm>> -> memref<100000x128xf32, #tpu.memory_space<hbm>>
      %dma_start3A_265 = arith.constant 0 : i32
      %dma_start3A_266 = arith.constant 0 : i32
      %dma_start3A_267 = tpu.memref_slice %dma_start3A_264[%dma_start3A_265, %dma_start3A_266] : memref<100000x128xf32, #tpu.memory_space<hbm>> -> memref<100000x128xf32, #tpu.memory_space<hbm>>
      tpu.enqueue_indirect_dma source(%dma_start3A_267 : memref<100000x128xf32, #tpu.memory_space<hbm>>) target(%arg23 : memref<32x128xf32, #tpu.memory_space<vmem>>) offsets(%dma_start3A_260 : memref<32xi32, #tpu.memory_space<vmem>>) semaphore(%arg31 : memref<!tpu.dma_semaphore, #tpu.memory_space<semaphore_mem>>)
      %dma_start3A_268 = arith.constant 3 : i32
      %dma_start3A_269 = tpu.memref_slice %arg8[%select_n3A, %mul3A_237] : memref<16x128xi32, #tpu.memory_space<vmem>> -> memref<1x32xi32, #tpu.memory_space<vmem>>
      %dma_start3A_270 = tpu.memref_squeeze %dma_start3A_269 : memref<1x32xi32, #tpu.memory_space<vmem>> -> memref<32xi32, #tpu.memory_space<vmem>>
      %dma_start3A_271 = arith.constant 0 : i32
      %dma_start3A_272 = arith.constant 0 : i32
      %dma_start3A_273 = tpu.memref_slice %arg2[%dma_start3A_268, %dma_start3A_271, %dma_start3A_272] : memref<8x100000x128xf32, #tpu.memory_space<hbm>> -> memref<1x100000x128xf32, #tpu.memory_space<hbm>>
      %dma_start3A_274 = tpu.memref_squeeze %dma_start3A_273 : memref<1x100000x128xf32, #tpu.memory_space<hbm>> -> memref<100000x128xf32, #tpu.memory_space<hbm>>
      %dma_start3A_275 = arith.constant 0 : i32
      %dma_start3A_276 = arith.constant 0 : i32
      %dma_start3A_277 = tpu.memref_slice %dma_start3A_274[%dma_start3A_275, %dma_start3A_276] : memref<100000x128xf32, #tpu.memory_space<hbm>> -> memref<100000x128xf32, #tpu.memory_space<hbm>>
      tpu.enqueue_indirect_dma source(%dma_start3A_277 : memref<100000x128xf32, #tpu.memory_space<hbm>>) target(%arg24 : memref<32x128xf32, #tpu.memory_space<vmem>>) offsets(%dma_start3A_270 : memref<32xi32, #tpu.memory_space<vmem>>) semaphore(%arg31 : memref<!tpu.dma_semaphore, #tpu.memory_space<semaphore_mem>>)
      %dma_start3A_278 = arith.constant 4 : i32
      %dma_start3A_279 = tpu.memref_slice %arg9[%select_n3A, %mul3A_237] : memref<16x128xi32, #tpu.memory_space<vmem>> -> memref<1x32xi32, #tpu.memory_space<vmem>>
      %dma_start3A_280 = tpu.memref_squeeze %dma_start3A_279 : memref<1x32xi32, #tpu.memory_space<vmem>> -> memref<32xi32, #tpu.memory_space<vmem>>
      %dma_start3A_281 = arith.constant 0 : i32
      %dma_start3A_282 = arith.constant 0 : i32
      %dma_start3A_283 = tpu.memref_slice %arg2[%dma_start3A_278, %dma_start3A_281, %dma_start3A_282] : memref<8x100000x128xf32, #tpu.memory_space<hbm>> -> memref<1x100000x128xf32, #tpu.memory_space<hbm>>
      %dma_start3A_284 = tpu.memref_squeeze %dma_start3A_283 : memref<1x100000x128xf32, #tpu.memory_space<hbm>> -> memref<100000x128xf32, #tpu.memory_space<hbm>>
      %dma_start3A_285 = arith.constant 0 : i32
      %dma_start3A_286 = arith.constant 0 : i32
      %dma_start3A_287 = tpu.memref_slice %dma_start3A_284[%dma_start3A_285, %dma_start3A_286] : memref<100000x128xf32, #tpu.memory_space<hbm>> -> memref<100000x128xf32, #tpu.memory_space<hbm>>
      tpu.enqueue_indirect_dma source(%dma_start3A_287 : memref<100000x128xf32, #tpu.memory_space<hbm>>) target(%arg25 : memref<32x128xf32, #tpu.memory_space<vmem>>) offsets(%dma_start3A_280 : memref<32xi32, #tpu.memory_space<vmem>>) semaphore(%arg31 : memref<!tpu.dma_semaphore, #tpu.memory_space<semaphore_mem>>)
      %dma_start3A_288 = arith.constant 5 : i32
      %dma_start3A_289 = tpu.memref_slice %arg10[%select_n3A, %mul3A_237] : memref<16x128xi32, #tpu.memory_space<vmem>> -> memref<1x32xi32, #tpu.memory_space<vmem>>
      %dma_start3A_290 = tpu.memref_squeeze %dma_start3A_289 : memref<1x32xi32, #tpu.memory_space<vmem>> -> memref<32xi32, #tpu.memory_space<vmem>>
      %dma_start3A_291 = arith.constant 0 : i32
      %dma_start3A_292 = arith.constant 0 : i32
      %dma_start3A_293 = tpu.memref_slice %arg2[%dma_start3A_288, %dma_start3A_291, %dma_start3A_292] : memref<8x100000x128xf32, #tpu.memory_space<hbm>> -> memref<1x100000x128xf32, #tpu.memory_space<hbm>>
      %dma_start3A_294 = tpu.memref_squeeze %dma_start3A_293 : memref<1x100000x128xf32, #tpu.memory_space<hbm>> -> memref<100000x128xf32, #tpu.memory_space<hbm>>
      %dma_start3A_295 = arith.constant 0 : i32
      %dma_start3A_296 = arith.constant 0 : i32
      %dma_start3A_297 = tpu.memref_slice %dma_start3A_294[%dma_start3A_295, %dma_start3A_296] : memref<100000x128xf32, #tpu.memory_space<hbm>> -> memref<100000x128xf32, #tpu.memory_space<hbm>>
      tpu.enqueue_indirect_dma source(%dma_start3A_297 : memref<100000x128xf32, #tpu.memory_space<hbm>>) target(%arg26 : memref<32x128xf32, #tpu.memory_space<vmem>>) offsets(%dma_start3A_290 : memref<32xi32, #tpu.memory_space<vmem>>) semaphore(%arg31 : memref<!tpu.dma_semaphore, #tpu.memory_space<semaphore_mem>>)
      %dma_start3A_298 = arith.constant 6 : i32
      %dma_start3A_299 = tpu.memref_slice %arg11[%select_n3A, %mul3A_237] : memref<16x128xi32, #tpu.memory_space<vmem>> -> memref<1x32xi32, #tpu.memory_space<vmem>>
      %dma_start3A_300 = tpu.memref_squeeze %dma_start3A_299 : memref<1x32xi32, #tpu.memory_space<vmem>> -> memref<32xi32, #tpu.memory_space<vmem>>
      %dma_start3A_301 = arith.constant 0 : i32
      %dma_start3A_302 = arith.constant 0 : i32
      %dma_start3A_303 = tpu.memref_slice %arg2[%dma_start3A_298, %dma_start3A_301, %dma_start3A_302] : memref<8x100000x128xf32, #tpu.memory_space<hbm>> -> memref<1x100000x128xf32, #tpu.memory_space<hbm>>
      %dma_start3A_304 = tpu.memref_squeeze %dma_start3A_303 : memref<1x100000x128xf32, #tpu.memory_space<hbm>> -> memref<100000x128xf32, #tpu.memory_space<hbm>>
      %dma_start3A_305 = arith.constant 0 : i32
      %dma_start3A_306 = arith.constant 0 : i32
      %dma_start3A_307 = tpu.memref_slice %dma_start3A_304[%dma_start3A_305, %dma_start3A_306] : memref<100000x128xf32, #tpu.memory_space<hbm>> -> memref<100000x128xf32, #tpu.memory_space<hbm>>
      tpu.enqueue_indirect_dma source(%dma_start3A_307 : memref<100000x128xf32, #tpu.memory_space<hbm>>) target(%arg27 : memref<32x128xf32, #tpu.memory_space<vmem>>) offsets(%dma_start3A_300 : memref<32xi32, #tpu.memory_space<vmem>>) semaphore(%arg31 : memref<!tpu.dma_semaphore, #tpu.memory_space<semaphore_mem>>)
      %dma_start3A_308 = arith.constant 7 : i32
      %dma_start3A_309 = tpu.memref_slice %arg12[%select_n3A, %mul3A_237] : memref<16x128xi32, #tpu.memory_space<vmem>> -> memref<1x32xi32, #tpu.memory_space<vmem>>
      %dma_start3A_310 = tpu.memref_squeeze %dma_start3A_309 : memref<1x32xi32, #tpu.memory_space<vmem>> -> memref<32xi32, #tpu.memory_space<vmem>>
      %dma_start3A_311 = arith.constant 0 : i32
      %dma_start3A_312 = arith.constant 0 : i32
      %dma_start3A_313 = tpu.memref_slice %arg2[%dma_start3A_308, %dma_start3A_311, %dma_start3A_312] : memref<8x100000x128xf32, #tpu.memory_space<hbm>> -> memref<1x100000x128xf32, #tpu.memory_space<hbm>>
      %dma_start3A_314 = tpu.memref_squeeze %dma_start3A_313 : memref<1x100000x128xf32, #tpu.memory_space<hbm>> -> memref<100000x128xf32, #tpu.memory_space<hbm>>
      %dma_start3A_315 = arith.constant 0 : i32
      %dma_start3A_316 = arith.constant 0 : i32
      %dma_start3A_317 = tpu.memref_slice %dma_start3A_314[%dma_start3A_315, %dma_start3A_316] : memref<100000x128xf32, #tpu.memory_space<hbm>> -> memref<100000x128xf32, #tpu.memory_space<hbm>>
      tpu.enqueue_indirect_dma source(%dma_start3A_317 : memref<100000x128xf32, #tpu.memory_space<hbm>>) target(%arg28 : memref<32x128xf32, #tpu.memory_space<vmem>>) offsets(%dma_start3A_310 : memref<32xi32, #tpu.memory_space<vmem>>) semaphore(%arg31 : memref<!tpu.dma_semaphore, #tpu.memory_space<semaphore_mem>>)
      %jit3A_318 = arith.constant 4 : i32
      %div3A_319 = arith.divsi %mul3A_203, %jit3A_318 : i32
      %sign3A_320 = arith.constant 0 : i32
      %sign3A_321 = arith.cmpi sgt, %mul3A_203, %sign3A_320 : i32
      %sign3A_322 = arith.extui %sign3A_321 : i1 to i32
      %sign3A_323 = arith.constant 0 : i32
      %sign3A_324 = arith.cmpi slt, %mul3A_203, %sign3A_323 : i32
      %sign3A_325 = arith.extui %sign3A_324 : i1 to i32
      %sign3A_326 = arith.subi %sign3A_322, %sign3A_325 : i32
      %sign3A_327 = arith.constant 0 : i32
      %sign3A_328 = arith.cmpi sgt, %jit3A_318, %sign3A_327 : i32
      %sign3A_329 = arith.extui %sign3A_328 : i1 to i32
      %sign3A_330 = arith.constant 0 : i32
      %sign3A_331 = arith.cmpi slt, %jit3A_318, %sign3A_330 : i32
      %sign3A_332 = arith.extui %sign3A_331 : i1 to i32
      %sign3A_333 = arith.subi %sign3A_329, %sign3A_332 : i32
      %ne3A_334 = arith.cmpi ne, %sign3A_326, %sign3A_333 : i32
      %rem3A_335 = arith.remsi %mul3A_203, %jit3A_318 : i32
      %ne3A_336 = arith.constant 0 : i32
      %ne3A_337 = arith.cmpi ne, %rem3A_335, %ne3A_336 : i32
      %and3A_338 = arith.andi %ne3A_334, %ne3A_337 : i1
      %sub3A_339 = arith.constant 1 : i32
      %sub3A_340 = arith.subi %div3A_319, %sub3A_339 : i32
      %select_n3A_341 = arith.select %and3A_338, %sub3A_340, %div3A_319 : i32
      %jit3A_342 = arith.constant 4 : i32
      %eq3A_343 = arith.constant 0 : i32
      %eq3A_344 = arith.cmpi eq, %jit3A_342, %eq3A_343 : i32
      %jit3A_345 = arith.constant 1 : i32
      %select_n3A_346 = arith.select %eq3A_344, %jit3A_345, %jit3A_342 : i32
      %rem3A_347 = arith.remsi %mul3A_203, %select_n3A_346 : i32
      %ne3A_348 = arith.constant 0 : i32
      %ne3A_349 = arith.cmpi ne, %rem3A_347, %ne3A_348 : i32
      %lt3A_350 = arith.constant 0 : i32
      %lt3A_351 = arith.cmpi slt, %rem3A_347, %lt3A_350 : i32
      %lt3A_352 = arith.constant 0 : i32
      %lt3A_353 = arith.cmpi slt, %select_n3A_346, %lt3A_352 : i32
      %ne3A_354 = arith.xori %lt3A_351, %lt3A_353 : i1
      %and3A_355 = arith.andi %ne3A_354, %ne3A_349 : i1
      %add3A_356 = arith.addi %rem3A_347, %select_n3A_346 : i32
      %select_n3A_357 = arith.select %and3A_355, %add3A_356, %rem3A_347 : i32
      %mul3A_358 = arith.constant 32 : i32
      %mul3A_359 = arith.muli %select_n3A_357, %mul3A_358 : i32
      %dma_wait3A_360 = arith.constant 0 : i32
      %dma_wait3A_361 = tpu.memref_slice %arg5[%select_n3A_341, %mul3A_359] : memref<16x128xi32, #tpu.memory_space<vmem>> -> memref<1x32xi32, #tpu.memory_space<vmem>>
      %dma_wait3A_362 = tpu.memref_squeeze %dma_wait3A_361 : memref<1x32xi32, #tpu.memory_space<vmem>> -> memref<32xi32, #tpu.memory_space<vmem>>
      %dma_wait3A_363 = arith.constant 0 : i32
      %dma_wait3A_364 = arith.constant 0 : i32
      %dma_wait3A_365 = tpu.memref_slice %arg2[%dma_wait3A_360, %dma_wait3A_363, %dma_wait3A_364] : memref<8x100000x128xf32, #tpu.memory_space<hbm>> -> memref<1x100000x128xf32, #tpu.memory_space<hbm>>
      %dma_wait3A_366 = tpu.memref_squeeze %dma_wait3A_365 : memref<1x100000x128xf32, #tpu.memory_space<hbm>> -> memref<100000x128xf32, #tpu.memory_space<hbm>>
      %dma_wait3A_367 = arith.constant 0 : i32
      %dma_wait3A_368 = arith.constant 0 : i32
      %dma_wait3A_369 = tpu.memref_slice %dma_wait3A_366[%dma_wait3A_367, %dma_wait3A_368] : memref<100000x128xf32, #tpu.memory_space<hbm>> -> memref<100000x128xf32, #tpu.memory_space<hbm>>
      tpu.wait_indirect_dma semaphore(%arg30 : memref<!tpu.dma_semaphore, #tpu.memory_space<semaphore_mem>>) src(%dma_wait3A_369 : memref<100000x128xf32, #tpu.memory_space<hbm>>) dst(%arg13 : memref<32x128xf32, #tpu.memory_space<vmem>>)
      %dma_wait3A_370 = arith.constant 1 : i32
      %dma_wait3A_371 = tpu.memref_slice %arg6[%select_n3A_341, %mul3A_359] : memref<16x128xi32, #tpu.memory_space<vmem>> -> memref<1x32xi32, #tpu.memory_space<vmem>>
      %dma_wait3A_372 = tpu.memref_squeeze %dma_wait3A_371 : memref<1x32xi32, #tpu.memory_space<vmem>> -> memref<32xi32, #tpu.memory_space<vmem>>
      %dma_wait3A_373 = arith.constant 0 : i32
      %dma_wait3A_374 = arith.constant 0 : i32
      %dma_wait3A_375 = tpu.memref_slice %arg2[%dma_wait3A_370, %dma_wait3A_373, %dma_wait3A_374] : memref<8x100000x128xf32, #tpu.memory_space<hbm>> -> memref<1x100000x128xf32, #tpu.memory_space<hbm>>
      %dma_wait3A_376 = tpu.memref_squeeze %dma_wait3A_375 : memref<1x100000x128xf32, #tpu.memory_space<hbm>> -> memref<100000x128xf32, #tpu.memory_space<hbm>>
      %dma_wait3A_377 = arith.constant 0 : i32
      %dma_wait3A_378 = arith.constant 0 : i32
      %dma_wait3A_379 = tpu.memref_slice %dma_wait3A_376[%dma_wait3A_377, %dma_wait3A_378] : memref<100000x128xf32, #tpu.memory_space<hbm>> -> memref<100000x128xf32, #tpu.memory_space<hbm>>
      tpu.wait_indirect_dma semaphore(%arg30 : memref<!tpu.dma_semaphore, #tpu.memory_space<semaphore_mem>>) src(%dma_wait3A_379 : memref<100000x128xf32, #tpu.memory_space<hbm>>) dst(%arg14 : memref<32x128xf32, #tpu.memory_space<vmem>>)
      %dma_wait3A_380 = arith.constant 2 : i32
      %dma_wait3A_381 = tpu.memref_slice %arg7[%select_n3A_341, %mul3A_359] : memref<16x128xi32, #tpu.memory_space<vmem>> -> memref<1x32xi32, #tpu.memory_space<vmem>>
      %dma_wait3A_382 = tpu.memref_squeeze %dma_wait3A_381 : memref<1x32xi32, #tpu.memory_space<vmem>> -> memref<32xi32, #tpu.memory_space<vmem>>
      %dma_wait3A_383 = arith.constant 0 : i32
      %dma_wait3A_384 = arith.constant 0 : i32
      %dma_wait3A_385 = tpu.memref_slice %arg2[%dma_wait3A_380, %dma_wait3A_383, %dma_wait3A_384] : memref<8x100000x128xf32, #tpu.memory_space<hbm>> -> memref<1x100000x128xf32, #tpu.memory_space<hbm>>
      %dma_wait3A_386 = tpu.memref_squeeze %dma_wait3A_385 : memref<1x100000x128xf32, #tpu.memory_space<hbm>> -> memref<100000x128xf32, #tpu.memory_space<hbm>>
      %dma_wait3A_387 = arith.constant 0 : i32
      %dma_wait3A_388 = arith.constant 0 : i32
      %dma_wait3A_389 = tpu.memref_slice %dma_wait3A_386[%dma_wait3A_387, %dma_wait3A_388] : memref<100000x128xf32, #tpu.memory_space<hbm>> -> memref<100000x128xf32, #tpu.memory_space<hbm>>
      tpu.wait_indirect_dma semaphore(%arg30 : memref<!tpu.dma_semaphore, #tpu.memory_space<semaphore_mem>>) src(%dma_wait3A_389 : memref<100000x128xf32, #tpu.memory_space<hbm>>) dst(%arg15 : memref<32x128xf32, #tpu.memory_space<vmem>>)
      %dma_wait3A_390 = arith.constant 3 : i32
      %dma_wait3A_391 = tpu.memref_slice %arg8[%select_n3A_341, %mul3A_359] : memref<16x128xi32, #tpu.memory_space<vmem>> -> memref<1x32xi32, #tpu.memory_space<vmem>>
      %dma_wait3A_392 = tpu.memref_squeeze %dma_wait3A_391 : memref<1x32xi32, #tpu.memory_space<vmem>> -> memref<32xi32, #tpu.memory_space<vmem>>
      %dma_wait3A_393 = arith.constant 0 : i32
      %dma_wait3A_394 = arith.constant 0 : i32
      %dma_wait3A_395 = tpu.memref_slice %arg2[%dma_wait3A_390, %dma_wait3A_393, %dma_wait3A_394] : memref<8x100000x128xf32, #tpu.memory_space<hbm>> -> memref<1x100000x128xf32, #tpu.memory_space<hbm>>
      %dma_wait3A_396 = tpu.memref_squeeze %dma_wait3A_395 : memref<1x100000x128xf32, #tpu.memory_space<hbm>> -> memref<100000x128xf32, #tpu.memory_space<hbm>>
      %dma_wait3A_397 = arith.constant 0 : i32
      %dma_wait3A_398 = arith.constant 0 : i32
      %dma_wait3A_399 = tpu.memref_slice %dma_wait3A_396[%dma_wait3A_397, %dma_wait3A_398] : memref<100000x128xf32, #tpu.memory_space<hbm>> -> memref<100000x128xf32, #tpu.memory_space<hbm>>
      tpu.wait_indirect_dma semaphore(%arg30 : memref<!tpu.dma_semaphore, #tpu.memory_space<semaphore_mem>>) src(%dma_wait3A_399 : memref<100000x128xf32, #tpu.memory_space<hbm>>) dst(%arg16 : memref<32x128xf32, #tpu.memory_space<vmem>>)
      %dma_wait3A_400 = arith.constant 4 : i32
      %dma_wait3A_401 = tpu.memref_slice %arg9[%select_n3A_341, %mul3A_359] : memref<16x128xi32, #tpu.memory_space<vmem>> -> memref<1x32xi32, #tpu.memory_space<vmem>>
      %dma_wait3A_402 = tpu.memref_squeeze %dma_wait3A_401 : memref<1x32xi32, #tpu.memory_space<vmem>> -> memref<32xi32, #tpu.memory_space<vmem>>
      %dma_wait3A_403 = arith.constant 0 : i32
      %dma_wait3A_404 = arith.constant 0 : i32
      %dma_wait3A_405 = tpu.memref_slice %arg2[%dma_wait3A_400, %dma_wait3A_403, %dma_wait3A_404] : memref<8x100000x128xf32, #tpu.memory_space<hbm>> -> memref<1x100000x128xf32, #tpu.memory_space<hbm>>
      %dma_wait3A_406 = tpu.memref_squeeze %dma_wait3A_405 : memref<1x100000x128xf32, #tpu.memory_space<hbm>> -> memref<100000x128xf32, #tpu.memory_space<hbm>>
      %dma_wait3A_407 = arith.constant 0 : i32
      %dma_wait3A_408 = arith.constant 0 : i32
      %dma_wait3A_409 = tpu.memref_slice %dma_wait3A_406[%dma_wait3A_407, %dma_wait3A_408] : memref<100000x128xf32, #tpu.memory_space<hbm>> -> memref<100000x128xf32, #tpu.memory_space<hbm>>
      tpu.wait_indirect_dma semaphore(%arg30 : memref<!tpu.dma_semaphore, #tpu.memory_space<semaphore_mem>>) src(%dma_wait3A_409 : memref<100000x128xf32, #tpu.memory_space<hbm>>) dst(%arg17 : memref<32x128xf32, #tpu.memory_space<vmem>>)
      %dma_wait3A_410 = arith.constant 5 : i32
      %dma_wait3A_411 = tpu.memref_slice %arg10[%select_n3A_341, %mul3A_359] : memref<16x128xi32, #tpu.memory_space<vmem>> -> memref<1x32xi32, #tpu.memory_space<vmem>>
      %dma_wait3A_412 = tpu.memref_squeeze %dma_wait3A_411 : memref<1x32xi32, #tpu.memory_space<vmem>> -> memref<32xi32, #tpu.memory_space<vmem>>
      %dma_wait3A_413 = arith.constant 0 : i32
      %dma_wait3A_414 = arith.constant 0 : i32
      %dma_wait3A_415 = tpu.memref_slice %arg2[%dma_wait3A_410, %dma_wait3A_413, %dma_wait3A_414] : memref<8x100000x128xf32, #tpu.memory_space<hbm>> -> memref<1x100000x128xf32, #tpu.memory_space<hbm>>
      %dma_wait3A_416 = tpu.memref_squeeze %dma_wait3A_415 : memref<1x100000x128xf32, #tpu.memory_space<hbm>> -> memref<100000x128xf32, #tpu.memory_space<hbm>>
      %dma_wait3A_417 = arith.constant 0 : i32
      %dma_wait3A_418 = arith.constant 0 : i32
      %dma_wait3A_419 = tpu.memref_slice %dma_wait3A_416[%dma_wait3A_417, %dma_wait3A_418] : memref<100000x128xf32, #tpu.memory_space<hbm>> -> memref<100000x128xf32, #tpu.memory_space<hbm>>
      tpu.wait_indirect_dma semaphore(%arg30 : memref<!tpu.dma_semaphore, #tpu.memory_space<semaphore_mem>>) src(%dma_wait3A_419 : memref<100000x128xf32, #tpu.memory_space<hbm>>) dst(%arg18 : memref<32x128xf32, #tpu.memory_space<vmem>>)
      %dma_wait3A_420 = arith.constant 6 : i32
      %dma_wait3A_421 = tpu.memref_slice %arg11[%select_n3A_341, %mul3A_359] : memref<16x128xi32, #tpu.memory_space<vmem>> -> memref<1x32xi32, #tpu.memory_space<vmem>>
      %dma_wait3A_422 = tpu.memref_squeeze %dma_wait3A_421 : memref<1x32xi32, #tpu.memory_space<vmem>> -> memref<32xi32, #tpu.memory_space<vmem>>
      %dma_wait3A_423 = arith.constant 0 : i32
      %dma_wait3A_424 = arith.constant 0 : i32
      %dma_wait3A_425 = tpu.memref_slice %arg2[%dma_wait3A_420, %dma_wait3A_423, %dma_wait3A_424] : memref<8x100000x128xf32, #tpu.memory_space<hbm>> -> memref<1x100000x128xf32, #tpu.memory_space<hbm>>
      %dma_wait3A_426 = tpu.memref_squeeze %dma_wait3A_425 : memref<1x100000x128xf32, #tpu.memory_space<hbm>> -> memref<100000x128xf32, #tpu.memory_space<hbm>>
      %dma_wait3A_427 = arith.constant 0 : i32
      %dma_wait3A_428 = arith.constant 0 : i32
      %dma_wait3A_429 = tpu.memref_slice %dma_wait3A_426[%dma_wait3A_427, %dma_wait3A_428] : memref<100000x128xf32, #tpu.memory_space<hbm>> -> memref<100000x128xf32, #tpu.memory_space<hbm>>
      tpu.wait_indirect_dma semaphore(%arg30 : memref<!tpu.dma_semaphore, #tpu.memory_space<semaphore_mem>>) src(%dma_wait3A_429 : memref<100000x128xf32, #tpu.memory_space<hbm>>) dst(%arg19 : memref<32x128xf32, #tpu.memory_space<vmem>>)
      %dma_wait3A_430 = arith.constant 7 : i32
      %dma_wait3A_431 = tpu.memref_slice %arg12[%select_n3A_341, %mul3A_359] : memref<16x128xi32, #tpu.memory_space<vmem>> -> memref<1x32xi32, #tpu.memory_space<vmem>>
      %dma_wait3A_432 = tpu.memref_squeeze %dma_wait3A_431 : memref<1x32xi32, #tpu.memory_space<vmem>> -> memref<32xi32, #tpu.memory_space<vmem>>
      %dma_wait3A_433 = arith.constant 0 : i32
      %dma_wait3A_434 = arith.constant 0 : i32
      %dma_wait3A_435 = tpu.memref_slice %arg2[%dma_wait3A_430, %dma_wait3A_433, %dma_wait3A_434] : memref<8x100000x128xf32, #tpu.memory_space<hbm>> -> memref<1x100000x128xf32, #tpu.memory_space<hbm>>
      %dma_wait3A_436 = tpu.memref_squeeze %dma_wait3A_435 : memref<1x100000x128xf32, #tpu.memory_space<hbm>> -> memref<100000x128xf32, #tpu.memory_space<hbm>>
      %dma_wait3A_437 = arith.constant 0 : i32
      %dma_wait3A_438 = arith.constant 0 : i32
      %dma_wait3A_439 = tpu.memref_slice %dma_wait3A_436[%dma_wait3A_437, %dma_wait3A_438] : memref<100000x128xf32, #tpu.memory_space<hbm>> -> memref<100000x128xf32, #tpu.memory_space<hbm>>
      tpu.wait_indirect_dma semaphore(%arg30 : memref<!tpu.dma_semaphore, #tpu.memory_space<semaphore_mem>>) src(%dma_wait3A_439 : memref<100000x128xf32, #tpu.memory_space<hbm>>) dst(%arg20 : memref<32x128xf32, #tpu.memory_space<vmem>>)
      %scan3A_440 = arith.constant 0 : i32
      %scan3A_441 = arith.constant 32 : i32
      %scan3A_442 = arith.addi %scan3A_440, %scan3A_441 : i32
      %scan3A_443 = arith.constant 1 : i32
      scf.for %scan3A_585 = %scan3A_440 to %scan3A_442 step %scan3A_443  : i32 {
        %mul3A_586 = arith.constant 1 : i32
        %mul3A_587 = arith.muli %scan3A_585, %mul3A_586 : i32
        %add3A_588 = arith.constant 0 : i32
        %add3A_589 = arith.addi %add3A_588, %mul3A_587 : i32
        %get3A = arith.index_cast %add3A_589 : i32 to index
        %get3A_590 = arith.constant 0 : index
        %get3A_591 = tpu.vector_load %arg13[%get3A, %get3A_590] {strides = array<i32>} : memref<32x128xf32, #tpu.memory_space<vmem>>, vector<1x16xf32>,
        %get3A_592 = vector.shape_cast %get3A_591 : vector<1x16xf32> to vector<16xf32>
        %get3A_593 = arith.index_cast %add3A_589 : i32 to index
        %get3A_594 = arith.constant 0 : index
        %get3A_595 = tpu.vector_load %arg14[%get3A_593, %get3A_594] {strides = array<i32>} : memref<32x128xf32, #tpu.memory_space<vmem>>, vector<1x16xf32>,
        %get3A_596 = vector.shape_cast %get3A_595 : vector<1x16xf32> to vector<16xf32>
        %add3A_597 = arith.addf %get3A_592, %get3A_596 : vector<16xf32>
        %get3A_598 = arith.index_cast %add3A_589 : i32 to index
        %get3A_599 = arith.constant 0 : index
        %get3A_600 = tpu.vector_load %arg15[%get3A_598, %get3A_599] {strides = array<i32>} : memref<32x128xf32, #tpu.memory_space<vmem>>, vector<1x16xf32>,
        %get3A_601 = vector.shape_cast %get3A_600 : vector<1x16xf32> to vector<16xf32>
        %add3A_602 = arith.addf %add3A_597, %get3A_601 : vector<16xf32>
        %get3A_603 = arith.index_cast %add3A_589 : i32 to index
        %get3A_604 = arith.constant 0 : index
        %get3A_605 = tpu.vector_load %arg16[%get3A_603, %get3A_604] {strides = array<i32>} : memref<32x128xf32, #tpu.memory_space<vmem>>, vector<1x16xf32>,
        %get3A_606 = vector.shape_cast %get3A_605 : vector<1x16xf32> to vector<16xf32>
        %add3A_607 = arith.addf %add3A_602, %get3A_606 : vector<16xf32>
        %get3A_608 = arith.index_cast %add3A_589 : i32 to index
        %get3A_609 = arith.constant 0 : index
        %get3A_610 = tpu.vector_load %arg17[%get3A_608, %get3A_609] {strides = array<i32>} : memref<32x128xf32, #tpu.memory_space<vmem>>, vector<1x16xf32>,
        %get3A_611 = vector.shape_cast %get3A_610 : vector<1x16xf32> to vector<16xf32>
        %add3A_612 = arith.addf %add3A_607, %get3A_611 : vector<16xf32>
        %get3A_613 = arith.index_cast %add3A_589 : i32 to index
        %get3A_614 = arith.constant 0 : index
        %get3A_615 = tpu.vector_load %arg18[%get3A_613, %get3A_614] {strides = array<i32>} : memref<32x128xf32, #tpu.memory_space<vmem>>, vector<1x16xf32>,
        %get3A_616 = vector.shape_cast %get3A_615 : vector<1x16xf32> to vector<16xf32>
        %add3A_617 = arith.addf %add3A_612, %get3A_616 : vector<16xf32>
        %get3A_618 = arith.index_cast %add3A_589 : i32 to index
        %get3A_619 = arith.constant 0 : index
        %get3A_620 = tpu.vector_load %arg19[%get3A_618, %get3A_619] {strides = array<i32>} : memref<32x128xf32, #tpu.memory_space<vmem>>, vector<1x16xf32>,
        %get3A_621 = vector.shape_cast %get3A_620 : vector<1x16xf32> to vector<16xf32>
        %add3A_622 = arith.addf %add3A_617, %get3A_621 : vector<16xf32>
        %get3A_623 = arith.index_cast %add3A_589 : i32 to index
        %get3A_624 = arith.constant 0 : index
        %get3A_625 = tpu.vector_load %arg20[%get3A_623, %get3A_624] {strides = array<i32>} : memref<32x128xf32, #tpu.memory_space<vmem>>, vector<1x16xf32>,
        %get3A_626 = vector.shape_cast %get3A_625 : vector<1x16xf32> to vector<16xf32>
        %add3A_627 = arith.addf %add3A_622, %get3A_626 : vector<16xf32>
        %swap3A = arith.index_cast %add3A_589 : i32 to index
        %swap3A_628 = arith.constant 0 : index
        %swap3A_629 = tpu.vector_load %arg13[%swap3A, %swap3A_628] {strides = array<i32>} : memref<32x128xf32, #tpu.memory_space<vmem>>, vector<1x16xf32>,
        %swap3A_630 = vector.shape_cast %swap3A_629 : vector<1x16xf32> to vector<16xf32>
        %swap3A_631 = vector.shape_cast %add3A_627 : vector<16xf32> to vector<1x16xf32>
        tpu.vector_store %arg13[%swap3A, %swap3A_628], %swap3A_631 {strides = array<i32>} : memref<32x128xf32, #tpu.memory_space<vmem>>, vector<1x16xf32>,
        %get3A_632 = arith.index_cast %add3A_589 : i32 to index
        %get3A_633 = arith.constant 16 : index
        %get3A_634 = tpu.vector_load %arg13[%get3A_632, %get3A_633] {strides = array<i32>} : memref<32x128xf32, #tpu.memory_space<vmem>>, vector<1x16xf32>,
        %get3A_635 = vector.shape_cast %get3A_634 : vector<1x16xf32> to vector<16xf32>
        %get3A_636 = arith.index_cast %add3A_589 : i32 to index
        %get3A_637 = arith.constant 16 : index
        %get3A_638 = tpu.vector_load %arg14[%get3A_636, %get3A_637] {strides = array<i32>} : memref<32x128xf32, #tpu.memory_space<vmem>>, vector<1x16xf32>,
        %get3A_639 = vector.shape_cast %get3A_638 : vector<1x16xf32> to vector<16xf32>
        %add3A_640 = arith.addf %get3A_635, %get3A_639 : vector<16xf32>
        %get3A_641 = arith.index_cast %add3A_589 : i32 to index
        %get3A_642 = arith.constant 16 : index
        %get3A_643 = tpu.vector_load %arg15[%get3A_641, %get3A_642] {strides = array<i32>} : memref<32x128xf32, #tpu.memory_space<vmem>>, vector<1x16xf32>,
        %get3A_644 = vector.shape_cast %get3A_643 : vector<1x16xf32> to vector<16xf32>
        %add3A_645 = arith.addf %add3A_640, %get3A_644 : vector<16xf32>
        %get3A_646 = arith.index_cast %add3A_589 : i32 to index
        %get3A_647 = arith.constant 16 : index
        %get3A_648 = tpu.vector_load %arg16[%get3A_646, %get3A_647] {strides = array<i32>} : memref<32x128xf32, #tpu.memory_space<vmem>>, vector<1x16xf32>,
        %get3A_649 = vector.shape_cast %get3A_648 : vector<1x16xf32> to vector<16xf32>
        %add3A_650 = arith.addf %add3A_645, %get3A_649 : vector<16xf32>
        %get3A_651 = arith.index_cast %add3A_589 : i32 to index
        %get3A_652 = arith.constant 16 : index
        %get3A_653 = tpu.vector_load %arg17[%get3A_651, %get3A_652] {strides = array<i32>} : memref<32x128xf32, #tpu.memory_space<vmem>>, vector<1x16xf32>,
        %get3A_654 = vector.shape_cast %get3A_653 : vector<1x16xf32> to vector<16xf32>
        %add3A_655 = arith.addf %add3A_650, %get3A_654 : vector<16xf32>
        %get3A_656 = arith.index_cast %add3A_589 : i32 to index
        %get3A_657 = arith.constant 16 : index
        %get3A_658 = tpu.vector_load %arg18[%get3A_656, %get3A_657] {strides = array<i32>} : memref<32x128xf32, #tpu.memory_space<vmem>>, vector<1x16xf32>,
        %get3A_659 = vector.shape_cast %get3A_658 : vector<1x16xf32> to vector<16xf32>
        %add3A_660 = arith.addf %add3A_655, %get3A_659 : vector<16xf32>
        %get3A_661 = arith.index_cast %add3A_589 : i32 to index
        %get3A_662 = arith.constant 16 : index
        %get3A_663 = tpu.vector_load %arg19[%get3A_661, %get3A_662] {strides = array<i32>} : memref<32x128xf32, #tpu.memory_space<vmem>>, vector<1x16xf32>,
        %get3A_664 = vector.shape_cast %get3A_663 : vector<1x16xf32> to vector<16xf32>
        %add3A_665 = arith.addf %add3A_660, %get3A_664 : vector<16xf32>
        %get3A_666 = arith.index_cast %add3A_589 : i32 to index
        %get3A_667 = arith.constant 16 : index
        %get3A_668 = tpu.vector_load %arg20[%get3A_666, %get3A_667] {strides = array<i32>} : memref<32x128xf32, #tpu.memory_space<vmem>>, vector<1x16xf32>,
        %get3A_669 = vector.shape_cast %get3A_668 : vector<1x16xf32> to vector<16xf32>
        %add3A_670 = arith.addf %add3A_665, %get3A_669 : vector<16xf32>
        %swap3A_671 = arith.index_cast %add3A_589 : i32 to index
        %swap3A_672 = arith.constant 16 : index
        %swap3A_673 = tpu.vector_load %arg13[%swap3A_671, %swap3A_672] {strides = array<i32>} : memref<32x128xf32, #tpu.memory_space<vmem>>, vector<1x16xf32>,
        %swap3A_674 = vector.shape_cast %swap3A_673 : vector<1x16xf32> to vector<16xf32>
        %swap3A_675 = vector.shape_cast %add3A_670 : vector<16xf32> to vector<1x16xf32>
        tpu.vector_store %arg13[%swap3A_671, %swap3A_672], %swap3A_675 {strides = array<i32>} : memref<32x128xf32, #tpu.memory_space<vmem>>, vector<1x16xf32>,
        %get3A_676 = arith.index_cast %add3A_589 : i32 to index
        %get3A_677 = arith.constant 32 : index
        %get3A_678 = tpu.vector_load %arg13[%get3A_676, %get3A_677] {strides = array<i32>} : memref<32x128xf32, #tpu.memory_space<vmem>>, vector<1x16xf32>,
        %get3A_679 = vector.shape_cast %get3A_678 : vector<1x16xf32> to vector<16xf32>
        %get3A_680 = arith.index_cast %add3A_589 : i32 to index
        %get3A_681 = arith.constant 32 : index
        %get3A_682 = tpu.vector_load %arg14[%get3A_680, %get3A_681] {strides = array<i32>} : memref<32x128xf32, #tpu.memory_space<vmem>>, vector<1x16xf32>,
        %get3A_683 = vector.shape_cast %get3A_682 : vector<1x16xf32> to vector<16xf32>
        %add3A_684 = arith.addf %get3A_679, %get3A_683 : vector<16xf32>
        %get3A_685 = arith.index_cast %add3A_589 : i32 to index
        %get3A_686 = arith.constant 32 : index
        %get3A_687 = tpu.vector_load %arg15[%get3A_685, %get3A_686] {strides = array<i32>} : memref<32x128xf32, #tpu.memory_space<vmem>>, vector<1x16xf32>,
        %get3A_688 = vector.shape_cast %get3A_687 : vector<1x16xf32> to vector<16xf32>
        %add3A_689 = arith.addf %add3A_684, %get3A_688 : vector<16xf32>
        %get3A_690 = arith.index_cast %add3A_589 : i32 to index
        %get3A_691 = arith.constant 32 : index
        %get3A_692 = tpu.vector_load %arg16[%get3A_690, %get3A_691] {strides = array<i32>} : memref<32x128xf32, #tpu.memory_space<vmem>>, vector<1x16xf32>,
        %get3A_693 = vector.shape_cast %get3A_692 : vector<1x16xf32> to vector<16xf32>
        %add3A_694 = arith.addf %add3A_689, %get3A_693 : vector<16xf32>
        %get3A_695 = arith.index_cast %add3A_589 : i32 to index
        %get3A_696 = arith.constant 32 : index
        %get3A_697 = tpu.vector_load %arg17[%get3A_695, %get3A_696] {strides = array<i32>} : memref<32x128xf32, #tpu.memory_space<vmem>>, vector<1x16xf32>,
        %get3A_698 = vector.shape_cast %get3A_697 : vector<1x16xf32> to vector<16xf32>
        %add3A_699 = arith.addf %add3A_694, %get3A_698 : vector<16xf32>
        %get3A_700 = arith.index_cast %add3A_589 : i32 to index
        %get3A_701 = arith.constant 32 : index
        %get3A_702 = tpu.vector_load %arg18[%get3A_700, %get3A_701] {strides = array<i32>} : memref<32x128xf32, #tpu.memory_space<vmem>>, vector<1x16xf32>,
        %get3A_703 = vector.shape_cast %get3A_702 : vector<1x16xf32> to vector<16xf32>
        %add3A_704 = arith.addf %add3A_699, %get3A_703 : vector<16xf32>
        %get3A_705 = arith.index_cast %add3A_589 : i32 to index
        %get3A_706 = arith.constant 32 : index
        %get3A_707 = tpu.vector_load %arg19[%get3A_705, %get3A_706] {strides = array<i32>} : memref<32x128xf32, #tpu.memory_space<vmem>>, vector<1x16xf32>,
        %get3A_708 = vector.shape_cast %get3A_707 : vector<1x16xf32> to vector<16xf32>
        %add3A_709 = arith.addf %add3A_704, %get3A_708 : vector<16xf32>
        %get3A_710 = arith.index_cast %add3A_589 : i32 to index
        %get3A_711 = arith.constant 32 : index
        %get3A_712 = tpu.vector_load %arg20[%get3A_710, %get3A_711] {strides = array<i32>} : memref<32x128xf32, #tpu.memory_space<vmem>>, vector<1x16xf32>,
        %get3A_713 = vector.shape_cast %get3A_712 : vector<1x16xf32> to vector<16xf32>
        %add3A_714 = arith.addf %add3A_709, %get3A_713 : vector<16xf32>
        %swap3A_715 = arith.index_cast %add3A_589 : i32 to index
        %swap3A_716 = arith.constant 32 : index
        %swap3A_717 = tpu.vector_load %arg13[%swap3A_715, %swap3A_716] {strides = array<i32>} : memref<32x128xf32, #tpu.memory_space<vmem>>, vector<1x16xf32>,
        %swap3A_718 = vector.shape_cast %swap3A_717 : vector<1x16xf32> to vector<16xf32>
        %swap3A_719 = vector.shape_cast %add3A_714 : vector<16xf32> to vector<1x16xf32>
        tpu.vector_store %arg13[%swap3A_715, %swap3A_716], %swap3A_719 {strides = array<i32>} : memref<32x128xf32, #tpu.memory_space<vmem>>, vector<1x16xf32>,
        %get3A_720 = arith.index_cast %add3A_589 : i32 to index
        %get3A_721 = arith.constant 48 : index
        %get3A_722 = tpu.vector_load %arg13[%get3A_720, %get3A_721] {strides = array<i32>} : memref<32x128xf32, #tpu.memory_space<vmem>>, vector<1x16xf32>,
        %get3A_723 = vector.shape_cast %get3A_722 : vector<1x16xf32> to vector<16xf32>
        %get3A_724 = arith.index_cast %add3A_589 : i32 to index
        %get3A_725 = arith.constant 48 : index
        %get3A_726 = tpu.vector_load %arg14[%get3A_724, %get3A_725] {strides = array<i32>} : memref<32x128xf32, #tpu.memory_space<vmem>>, vector<1x16xf32>,
        %get3A_727 = vector.shape_cast %get3A_726 : vector<1x16xf32> to vector<16xf32>
        %add3A_728 = arith.addf %get3A_723, %get3A_727 : vector<16xf32>
        %get3A_729 = arith.index_cast %add3A_589 : i32 to index
        %get3A_730 = arith.constant 48 : index
        %get3A_731 = tpu.vector_load %arg15[%get3A_729, %get3A_730] {strides = array<i32>} : memref<32x128xf32, #tpu.memory_space<vmem>>, vector<1x16xf32>,
        %get3A_732 = vector.shape_cast %get3A_731 : vector<1x16xf32> to vector<16xf32>
        %add3A_733 = arith.addf %add3A_728, %get3A_732 : vector<16xf32>
        %get3A_734 = arith.index_cast %add3A_589 : i32 to index
        %get3A_735 = arith.constant 48 : index
        %get3A_736 = tpu.vector_load %arg16[%get3A_734, %get3A_735] {strides = array<i32>} : memref<32x128xf32, #tpu.memory_space<vmem>>, vector<1x16xf32>,
        %get3A_737 = vector.shape_cast %get3A_736 : vector<1x16xf32> to vector<16xf32>
        %add3A_738 = arith.addf %add3A_733, %get3A_737 : vector<16xf32>
        %get3A_739 = arith.index_cast %add3A_589 : i32 to index
        %get3A_740 = arith.constant 48 : index
        %get3A_741 = tpu.vector_load %arg17[%get3A_739, %get3A_740] {strides = array<i32>} : memref<32x128xf32, #tpu.memory_space<vmem>>, vector<1x16xf32>,
        %get3A_742 = vector.shape_cast %get3A_741 : vector<1x16xf32> to vector<16xf32>
        %add3A_743 = arith.addf %add3A_738, %get3A_742 : vector<16xf32>
        %get3A_744 = arith.index_cast %add3A_589 : i32 to index
        %get3A_745 = arith.constant 48 : index
        %get3A_746 = tpu.vector_load %arg18[%get3A_744, %get3A_745] {strides = array<i32>} : memref<32x128xf32, #tpu.memory_space<vmem>>, vector<1x16xf32>,
        %get3A_747 = vector.shape_cast %get3A_746 : vector<1x16xf32> to vector<16xf32>
        %add3A_748 = arith.addf %add3A_743, %get3A_747 : vector<16xf32>
        %get3A_749 = arith.index_cast %add3A_589 : i32 to index
        %get3A_750 = arith.constant 48 : index
        %get3A_751 = tpu.vector_load %arg19[%get3A_749, %get3A_750] {strides = array<i32>} : memref<32x128xf32, #tpu.memory_space<vmem>>, vector<1x16xf32>,
        %get3A_752 = vector.shape_cast %get3A_751 : vector<1x16xf32> to vector<16xf32>
        %add3A_753 = arith.addf %add3A_748, %get3A_752 : vector<16xf32>
        %get3A_754 = arith.index_cast %add3A_589 : i32 to index
        %get3A_755 = arith.constant 48 : index
        %get3A_756 = tpu.vector_load %arg20[%get3A_754, %get3A_755] {strides = array<i32>} : memref<32x128xf32, #tpu.memory_space<vmem>>, vector<1x16xf32>,
        %get3A_757 = vector.shape_cast %get3A_756 : vector<1x16xf32> to vector<16xf32>
        %add3A_758 = arith.addf %add3A_753, %get3A_757 : vector<16xf32>
        %swap3A_759 = arith.index_cast %add3A_589 : i32 to index
        %swap3A_760 = arith.constant 48 : index
        %swap3A_761 = tpu.vector_load %arg13[%swap3A_759, %swap3A_760] {strides = array<i32>} : memref<32x128xf32, #tpu.memory_space<vmem>>, vector<1x16xf32>,
        %swap3A_762 = vector.shape_cast %swap3A_761 : vector<1x16xf32> to vector<16xf32>
        %swap3A_763 = vector.shape_cast %add3A_758 : vector<16xf32> to vector<1x16xf32>
        tpu.vector_store %arg13[%swap3A_759, %swap3A_760], %swap3A_763 {strides = array<i32>} : memref<32x128xf32, #tpu.memory_space<vmem>>, vector<1x16xf32>,
      }
      %scan3A_444 = arith.constant 32 : i32
      %mul3A_445 = arith.constant 32 : i32
      %mul3A_446 = arith.muli %mul3A_203, %mul3A_445 : i32
      %add3A_447 = arith.addi %mul3A_2, %mul3A_446 : i32
      "tpu.region"() ({
        %run_scoped3A = tpu.sem_alloc : memref<!tpu.dma_semaphore, #tpu.memory_space<semaphore_mem>>
        %dma_start3A_585 = arith.constant 0 : i32
        %dma_start3A_586 = tpu.memref_slice %arg4[%add3A_447, %dma_start3A_585] : memref<51200x128xf32, #tpu.memory_space<hbm>> -> memref<32x128xf32, #tpu.memory_space<hbm>>
        %dma_start3A_587 = arith.constant 0 : i32
        %dma_start3A_588 = tpu.memref_slice %arg4[%add3A_447, %dma_start3A_587] : memref<51200x128xf32, #tpu.memory_space<hbm>> -> memref<32x128xf32, #tpu.memory_space<hbm>>
        tpu.enqueue_dma source(%arg13 : memref<32x128xf32, #tpu.memory_space<vmem>>) target(%dma_start3A_588 : memref<32x128xf32, #tpu.memory_space<hbm>>) target_semaphore(%run_scoped3A : memref<!tpu.dma_semaphore, #tpu.memory_space<semaphore_mem>>)
        %dma_wait3A_589 = arith.constant 0 : i32
        %dma_wait3A_590 = tpu.memref_slice %arg4[%add3A_447, %dma_wait3A_589] : memref<51200x128xf32, #tpu.memory_space<hbm>> -> memref<32x128xf32, #tpu.memory_space<hbm>>
        %dma_wait3A_591 = arith.constant 0 : i32
        %dma_wait3A_592 = tpu.memref_slice %arg4[%add3A_447, %dma_wait3A_591] : memref<51200x128xf32, #tpu.memory_space<hbm>> -> memref<32x128xf32, #tpu.memory_space<hbm>>
        tpu.wait_dma2 semaphore(%run_scoped3A : memref<!tpu.dma_semaphore, #tpu.memory_space<semaphore_mem>>) src(%arg13 : memref<32x128xf32, #tpu.memory_space<vmem>>) dst(%dma_wait3A_592 : memref<32x128xf32, #tpu.memory_space<hbm>>)
        tpu.yield
      }) : () -> ()
      %lt3A_448 = arith.constant 24 : i32
      %lt3A_449 = arith.cmpi slt, %add3A_201, %lt3A_448 : i32
      %convert_element_type3A = arith.extui %lt3A_449 : i1 to i32
      %cond3A = arith.constant 0 : i32
      %cond3A_450 = arith.cmpi ne, %convert_element_type3A, %cond3A : i32
      scf.if %cond3A_450 {
        %add3A_585 = arith.constant 2 : i32
        %add3A_586 = arith.addi %mul3A_203, %add3A_585 : i32
        %jit3A_587 = arith.constant 4 : i32
        %div3A_588 = arith.divsi %add3A_586, %jit3A_587 : i32
        %sign3A_589 = arith.constant 0 : i32
        %sign3A_590 = arith.cmpi sgt, %add3A_586, %sign3A_589 : i32
        %sign3A_591 = arith.extui %sign3A_590 : i1 to i32
        %sign3A_592 = arith.constant 0 : i32
        %sign3A_593 = arith.cmpi slt, %add3A_586, %sign3A_592 : i32
        %sign3A_594 = arith.extui %sign3A_593 : i1 to i32
        %sign3A_595 = arith.subi %sign3A_591, %sign3A_594 : i32
        %sign3A_596 = arith.constant 0 : i32
        %sign3A_597 = arith.cmpi sgt, %jit3A_587, %sign3A_596 : i32
        %sign3A_598 = arith.extui %sign3A_597 : i1 to i32
        %sign3A_599 = arith.constant 0 : i32
        %sign3A_600 = arith.cmpi slt, %jit3A_587, %sign3A_599 : i32
        %sign3A_601 = arith.extui %sign3A_600 : i1 to i32
        %sign3A_602 = arith.subi %sign3A_598, %sign3A_601 : i32
        %ne3A_603 = arith.cmpi ne, %sign3A_595, %sign3A_602 : i32
        %rem3A_604 = arith.remsi %add3A_586, %jit3A_587 : i32
        %ne3A_605 = arith.constant 0 : i32
        %ne3A_606 = arith.cmpi ne, %rem3A_604, %ne3A_605 : i32
        %and3A_607 = arith.andi %ne3A_603, %ne3A_606 : i1
        %sub3A_608 = arith.constant 1 : i32
        %sub3A_609 = arith.subi %div3A_588, %sub3A_608 : i32
        %select_n3A_610 = arith.select %and3A_607, %sub3A_609, %div3A_588 : i32
        %jit3A_611 = arith.constant 4 : i32
        %eq3A_612 = arith.constant 0 : i32
        %eq3A_613 = arith.cmpi eq, %jit3A_611, %eq3A_612 : i32
        %jit3A_614 = arith.constant 1 : i32
        %select_n3A_615 = arith.select %eq3A_613, %jit3A_614, %jit3A_611 : i32
        %rem3A_616 = arith.remsi %add3A_586, %select_n3A_615 : i32
        %ne3A_617 = arith.constant 0 : i32
        %ne3A_618 = arith.cmpi ne, %rem3A_616, %ne3A_617 : i32
        %lt3A_619 = arith.constant 0 : i32
        %lt3A_620 = arith.cmpi slt, %rem3A_616, %lt3A_619 : i32
        %lt3A_621 = arith.constant 0 : i32
        %lt3A_622 = arith.cmpi slt, %select_n3A_615, %lt3A_621 : i32
        %ne3A_623 = arith.xori %lt3A_620, %lt3A_622 : i1
        %and3A_624 = arith.andi %ne3A_623, %ne3A_618 : i1
        %add3A_625 = arith.addi %rem3A_616, %select_n3A_615 : i32
        %select_n3A_626 = arith.select %and3A_624, %add3A_625, %rem3A_616 : i32
        %mul3A_627 = arith.constant 32 : i32
        %mul3A_628 = arith.muli %select_n3A_626, %mul3A_627 : i32
        %dma_start3A_629 = arith.constant 0 : i32
        %dma_start3A_630 = tpu.memref_slice %arg5[%select_n3A_610, %mul3A_628] : memref<16x128xi32, #tpu.memory_space<vmem>> -> memref<1x32xi32, #tpu.memory_space<vmem>>
        %dma_start3A_631 = tpu.memref_squeeze %dma_start3A_630 : memref<1x32xi32, #tpu.memory_space<vmem>> -> memref<32xi32, #tpu.memory_space<vmem>>
        %dma_start3A_632 = arith.constant 0 : i32
        %dma_start3A_633 = arith.constant 0 : i32
        %dma_start3A_634 = tpu.memref_slice %arg2[%dma_start3A_629, %dma_start3A_632, %dma_start3A_633] : memref<8x100000x128xf32, #tpu.memory_space<hbm>> -> memref<1x100000x128xf32, #tpu.memory_space<hbm>>
        %dma_start3A_635 = tpu.memref_squeeze %dma_start3A_634 : memref<1x100000x128xf32, #tpu.memory_space<hbm>> -> memref<100000x128xf32, #tpu.memory_space<hbm>>
        %dma_start3A_636 = arith.constant 0 : i32
        %dma_start3A_637 = arith.constant 0 : i32
        %dma_start3A_638 = tpu.memref_slice %dma_start3A_635[%dma_start3A_636, %dma_start3A_637] : memref<100000x128xf32, #tpu.memory_space<hbm>> -> memref<100000x128xf32, #tpu.memory_space<hbm>>
        tpu.enqueue_indirect_dma source(%dma_start3A_638 : memref<100000x128xf32, #tpu.memory_space<hbm>>) target(%arg13 : memref<32x128xf32, #tpu.memory_space<vmem>>) offsets(%dma_start3A_631 : memref<32xi32, #tpu.memory_space<vmem>>) semaphore(%arg30 : memref<!tpu.dma_semaphore, #tpu.memory_space<semaphore_mem>>)
        %dma_start3A_639 = arith.constant 1 : i32
        %dma_start3A_640 = tpu.memref_slice %arg6[%select_n3A_610, %mul3A_628] : memref<16x128xi32, #tpu.memory_space<vmem>> -> memref<1x32xi32, #tpu.memory_space<vmem>>
        %dma_start3A_641 = tpu.memref_squeeze %dma_start3A_640 : memref<1x32xi32, #tpu.memory_space<vmem>> -> memref<32xi32, #tpu.memory_space<vmem>>
        %dma_start3A_642 = arith.constant 0 : i32
        %dma_start3A_643 = arith.constant 0 : i32
        %dma_start3A_644 = tpu.memref_slice %arg2[%dma_start3A_639, %dma_start3A_642, %dma_start3A_643] : memref<8x100000x128xf32, #tpu.memory_space<hbm>> -> memref<1x100000x128xf32, #tpu.memory_space<hbm>>
        %dma_start3A_645 = tpu.memref_squeeze %dma_start3A_644 : memref<1x100000x128xf32, #tpu.memory_space<hbm>> -> memref<100000x128xf32, #tpu.memory_space<hbm>>
        %dma_start3A_646 = arith.constant 0 : i32
        %dma_start3A_647 = arith.constant 0 : i32
        %dma_start3A_648 = tpu.memref_slice %dma_start3A_645[%dma_start3A_646, %dma_start3A_647] : memref<100000x128xf32, #tpu.memory_space<hbm>> -> memref<100000x128xf32, #tpu.memory_space<hbm>>
        tpu.enqueue_indirect_dma source(%dma_start3A_648 : memref<100000x128xf32, #tpu.memory_space<hbm>>) target(%arg14 : memref<32x128xf32, #tpu.memory_space<vmem>>) offsets(%dma_start3A_641 : memref<32xi32, #tpu.memory_space<vmem>>) semaphore(%arg30 : memref<!tpu.dma_semaphore, #tpu.memory_space<semaphore_mem>>)
        %dma_start3A_649 = arith.constant 2 : i32
        %dma_start3A_650 = tpu.memref_slice %arg7[%select_n3A_610, %mul3A_628] : memref<16x128xi32, #tpu.memory_space<vmem>> -> memref<1x32xi32, #tpu.memory_space<vmem>>
        %dma_start3A_651 = tpu.memref_squeeze %dma_start3A_650 : memref<1x32xi32, #tpu.memory_space<vmem>> -> memref<32xi32, #tpu.memory_space<vmem>>
        %dma_start3A_652 = arith.constant 0 : i32
        %dma_start3A_653 = arith.constant 0 : i32
        %dma_start3A_654 = tpu.memref_slice %arg2[%dma_start3A_649, %dma_start3A_652, %dma_start3A_653] : memref<8x100000x128xf32, #tpu.memory_space<hbm>> -> memref<1x100000x128xf32, #tpu.memory_space<hbm>>
        %dma_start3A_655 = tpu.memref_squeeze %dma_start3A_654 : memref<1x100000x128xf32, #tpu.memory_space<hbm>> -> memref<100000x128xf32, #tpu.memory_space<hbm>>
        %dma_start3A_656 = arith.constant 0 : i32
        %dma_start3A_657 = arith.constant 0 : i32
        %dma_start3A_658 = tpu.memref_slice %dma_start3A_655[%dma_start3A_656, %dma_start3A_657] : memref<100000x128xf32, #tpu.memory_space<hbm>> -> memref<100000x128xf32, #tpu.memory_space<hbm>>
        tpu.enqueue_indirect_dma source(%dma_start3A_658 : memref<100000x128xf32, #tpu.memory_space<hbm>>) target(%arg15 : memref<32x128xf32, #tpu.memory_space<vmem>>) offsets(%dma_start3A_651 : memref<32xi32, #tpu.memory_space<vmem>>) semaphore(%arg30 : memref<!tpu.dma_semaphore, #tpu.memory_space<semaphore_mem>>)
        %dma_start3A_659 = arith.constant 3 : i32
        %dma_start3A_660 = tpu.memref_slice %arg8[%select_n3A_610, %mul3A_628] : memref<16x128xi32, #tpu.memory_space<vmem>> -> memref<1x32xi32, #tpu.memory_space<vmem>>
        %dma_start3A_661 = tpu.memref_squeeze %dma_start3A_660 : memref<1x32xi32, #tpu.memory_space<vmem>> -> memref<32xi32, #tpu.memory_space<vmem>>
        %dma_start3A_662 = arith.constant 0 : i32
        %dma_start3A_663 = arith.constant 0 : i32
        %dma_start3A_664 = tpu.memref_slice %arg2[%dma_start3A_659, %dma_start3A_662, %dma_start3A_663] : memref<8x100000x128xf32, #tpu.memory_space<hbm>> -> memref<1x100000x128xf32, #tpu.memory_space<hbm>>
        %dma_start3A_665 = tpu.memref_squeeze %dma_start3A_664 : memref<1x100000x128xf32, #tpu.memory_space<hbm>> -> memref<100000x128xf32, #tpu.memory_space<hbm>>
        %dma_start3A_666 = arith.constant 0 : i32
        %dma_start3A_667 = arith.constant 0 : i32
        %dma_start3A_668 = tpu.memref_slice %dma_start3A_665[%dma_start3A_666, %dma_start3A_667] : memref<100000x128xf32, #tpu.memory_space<hbm>> -> memref<100000x128xf32, #tpu.memory_space<hbm>>
        tpu.enqueue_indirect_dma source(%dma_start3A_668 : memref<100000x128xf32, #tpu.memory_space<hbm>>) target(%arg16 : memref<32x128xf32, #tpu.memory_space<vmem>>) offsets(%dma_start3A_661 : memref<32xi32, #tpu.memory_space<vmem>>) semaphore(%arg30 : memref<!tpu.dma_semaphore, #tpu.memory_space<semaphore_mem>>)
        %dma_start3A_669 = arith.constant 4 : i32
        %dma_start3A_670 = tpu.memref_slice %arg9[%select_n3A_610, %mul3A_628] : memref<16x128xi32, #tpu.memory_space<vmem>> -> memref<1x32xi32, #tpu.memory_space<vmem>>
        %dma_start3A_671 = tpu.memref_squeeze %dma_start3A_670 : memref<1x32xi32, #tpu.memory_space<vmem>> -> memref<32xi32, #tpu.memory_space<vmem>>
        %dma_start3A_672 = arith.constant 0 : i32
        %dma_start3A_673 = arith.constant 0 : i32
        %dma_start3A_674 = tpu.memref_slice %arg2[%dma_start3A_669, %dma_start3A_672, %dma_start3A_673] : memref<8x100000x128xf32, #tpu.memory_space<hbm>> -> memref<1x100000x128xf32, #tpu.memory_space<hbm>>
        %dma_start3A_675 = tpu.memref_squeeze %dma_start3A_674 : memref<1x100000x128xf32, #tpu.memory_space<hbm>> -> memref<100000x128xf32, #tpu.memory_space<hbm>>
        %dma_start3A_676 = arith.constant 0 : i32
        %dma_start3A_677 = arith.constant 0 : i32
        %dma_start3A_678 = tpu.memref_slice %dma_start3A_675[%dma_start3A_676, %dma_start3A_677] : memref<100000x128xf32, #tpu.memory_space<hbm>> -> memref<100000x128xf32, #tpu.memory_space<hbm>>
        tpu.enqueue_indirect_dma source(%dma_start3A_678 : memref<100000x128xf32, #tpu.memory_space<hbm>>) target(%arg17 : memref<32x128xf32, #tpu.memory_space<vmem>>) offsets(%dma_start3A_671 : memref<32xi32, #tpu.memory_space<vmem>>) semaphore(%arg30 : memref<!tpu.dma_semaphore, #tpu.memory_space<semaphore_mem>>)
        %dma_start3A_679 = arith.constant 5 : i32
        %dma_start3A_680 = tpu.memref_slice %arg10[%select_n3A_610, %mul3A_628] : memref<16x128xi32, #tpu.memory_space<vmem>> -> memref<1x32xi32, #tpu.memory_space<vmem>>
        %dma_start3A_681 = tpu.memref_squeeze %dma_start3A_680 : memref<1x32xi32, #tpu.memory_space<vmem>> -> memref<32xi32, #tpu.memory_space<vmem>>
        %dma_start3A_682 = arith.constant 0 : i32
        %dma_start3A_683 = arith.constant 0 : i32
        %dma_start3A_684 = tpu.memref_slice %arg2[%dma_start3A_679, %dma_start3A_682, %dma_start3A_683] : memref<8x100000x128xf32, #tpu.memory_space<hbm>> -> memref<1x100000x128xf32, #tpu.memory_space<hbm>>
        %dma_start3A_685 = tpu.memref_squeeze %dma_start3A_684 : memref<1x100000x128xf32, #tpu.memory_space<hbm>> -> memref<100000x128xf32, #tpu.memory_space<hbm>>
        %dma_start3A_686 = arith.constant 0 : i32
        %dma_start3A_687 = arith.constant 0 : i32
        %dma_start3A_688 = tpu.memref_slice %dma_start3A_685[%dma_start3A_686, %dma_start3A_687] : memref<100000x128xf32, #tpu.memory_space<hbm>> -> memref<100000x128xf32, #tpu.memory_space<hbm>>
        tpu.enqueue_indirect_dma source(%dma_start3A_688 : memref<100000x128xf32, #tpu.memory_space<hbm>>) target(%arg18 : memref<32x128xf32, #tpu.memory_space<vmem>>) offsets(%dma_start3A_681 : memref<32xi32, #tpu.memory_space<vmem>>) semaphore(%arg30 : memref<!tpu.dma_semaphore, #tpu.memory_space<semaphore_mem>>)
        %dma_start3A_689 = arith.constant 6 : i32
        %dma_start3A_690 = tpu.memref_slice %arg11[%select_n3A_610, %mul3A_628] : memref<16x128xi32, #tpu.memory_space<vmem>> -> memref<1x32xi32, #tpu.memory_space<vmem>>
        %dma_start3A_691 = tpu.memref_squeeze %dma_start3A_690 : memref<1x32xi32, #tpu.memory_space<vmem>> -> memref<32xi32, #tpu.memory_space<vmem>>
        %dma_start3A_692 = arith.constant 0 : i32
        %dma_start3A_693 = arith.constant 0 : i32
        %dma_start3A_694 = tpu.memref_slice %arg2[%dma_start3A_689, %dma_start3A_692, %dma_start3A_693] : memref<8x100000x128xf32, #tpu.memory_space<hbm>> -> memref<1x100000x128xf32, #tpu.memory_space<hbm>>
        %dma_start3A_695 = tpu.memref_squeeze %dma_start3A_694 : memref<1x100000x128xf32, #tpu.memory_space<hbm>> -> memref<100000x128xf32, #tpu.memory_space<hbm>>
        %dma_start3A_696 = arith.constant 0 : i32
        %dma_start3A_697 = arith.constant 0 : i32
        %dma_start3A_698 = tpu.memref_slice %dma_start3A_695[%dma_start3A_696, %dma_start3A_697] : memref<100000x128xf32, #tpu.memory_space<hbm>> -> memref<100000x128xf32, #tpu.memory_space<hbm>>
        tpu.enqueue_indirect_dma source(%dma_start3A_698 : memref<100000x128xf32, #tpu.memory_space<hbm>>) target(%arg19 : memref<32x128xf32, #tpu.memory_space<vmem>>) offsets(%dma_start3A_691 : memref<32xi32, #tpu.memory_space<vmem>>) semaphore(%arg30 : memref<!tpu.dma_semaphore, #tpu.memory_space<semaphore_mem>>)
        %dma_start3A_699 = arith.constant 7 : i32
        %dma_start3A_700 = tpu.memref_slice %arg12[%select_n3A_610, %mul3A_628] : memref<16x128xi32, #tpu.memory_space<vmem>> -> memref<1x32xi32, #tpu.memory_space<vmem>>
        %dma_start3A_701 = tpu.memref_squeeze %dma_start3A_700 : memref<1x32xi32, #tpu.memory_space<vmem>> -> memref<32xi32, #tpu.memory_space<vmem>>
        %dma_start3A_702 = arith.constant 0 : i32
        %dma_start3A_703 = arith.constant 0 : i32
        %dma_start3A_704 = tpu.memref_slice %arg2[%dma_start3A_699, %dma_start3A_702, %dma_start3A_703] : memref<8x100000x128xf32, #tpu.memory_space<hbm>> -> memref<1x100000x128xf32, #tpu.memory_space<hbm>>
        %dma_start3A_705 = tpu.memref_squeeze %dma_start3A_704 : memref<1x100000x128xf32, #tpu.memory_space<hbm>> -> memref<100000x128xf32, #tpu.memory_space<hbm>>
        %dma_start3A_706 = arith.constant 0 : i32
        %dma_start3A_707 = arith.constant 0 : i32
        %dma_start3A_708 = tpu.memref_slice %dma_start3A_705[%dma_start3A_706, %dma_start3A_707] : memref<100000x128xf32, #tpu.memory_space<hbm>> -> memref<100000x128xf32, #tpu.memory_space<hbm>>
        tpu.enqueue_indirect_dma source(%dma_start3A_708 : memref<100000x128xf32, #tpu.memory_space<hbm>>) target(%arg20 : memref<32x128xf32, #tpu.memory_space<vmem>>) offsets(%dma_start3A_701 : memref<32xi32, #tpu.memory_space<vmem>>) semaphore(%arg30 : memref<!tpu.dma_semaphore, #tpu.memory_space<semaphore_mem>>)
      } else {
      }
      %add3A_451 = arith.constant 1 : i32
      %add3A_452 = arith.addi %mul3A_203, %add3A_451 : i32
      %jit3A_453 = arith.constant 4 : i32
      %div3A_454 = arith.divsi %add3A_452, %jit3A_453 : i32
      %sign3A_455 = arith.constant 0 : i32
      %sign3A_456 = arith.cmpi sgt, %add3A_452, %sign3A_455 : i32
      %sign3A_457 = arith.extui %sign3A_456 : i1 to i32
      %sign3A_458 = arith.constant 0 : i32
      %sign3A_459 = arith.cmpi slt, %add3A_452, %sign3A_458 : i32
      %sign3A_460 = arith.extui %sign3A_459 : i1 to i32
      %sign3A_461 = arith.subi %sign3A_457, %sign3A_460 : i32
      %sign3A_462 = arith.constant 0 : i32
      %sign3A_463 = arith.cmpi sgt, %jit3A_453, %sign3A_462 : i32
      %sign3A_464 = arith.extui %sign3A_463 : i1 to i32
      %sign3A_465 = arith.constant 0 : i32
      %sign3A_466 = arith.cmpi slt, %jit3A_453, %sign3A_465 : i32
      %sign3A_467 = arith.extui %sign3A_466 : i1 to i32
      %sign3A_468 = arith.subi %sign3A_464, %sign3A_467 : i32
      %ne3A_469 = arith.cmpi ne, %sign3A_461, %sign3A_468 : i32
      %rem3A_470 = arith.remsi %add3A_452, %jit3A_453 : i32
      %ne3A_471 = arith.constant 0 : i32
      %ne3A_472 = arith.cmpi ne, %rem3A_470, %ne3A_471 : i32
      %and3A_473 = arith.andi %ne3A_469, %ne3A_472 : i1
      %sub3A_474 = arith.constant 1 : i32
      %sub3A_475 = arith.subi %div3A_454, %sub3A_474 : i32
      %select_n3A_476 = arith.select %and3A_473, %sub3A_475, %div3A_454 : i32
      %jit3A_477 = arith.constant 4 : i32
      %eq3A_478 = arith.constant 0 : i32
      %eq3A_479 = arith.cmpi eq, %jit3A_477, %eq3A_478 : i32
      %jit3A_480 = arith.constant 1 : i32
      %select_n3A_481 = arith.select %eq3A_479, %jit3A_480, %jit3A_477 : i32
      %rem3A_482 = arith.remsi %add3A_452, %select_n3A_481 : i32
      %ne3A_483 = arith.constant 0 : i32
      %ne3A_484 = arith.cmpi ne, %rem3A_482, %ne3A_483 : i32
      %lt3A_485 = arith.constant 0 : i32
      %lt3A_486 = arith.cmpi slt, %rem3A_482, %lt3A_485 : i32
      %lt3A_487 = arith.constant 0 : i32
      %lt3A_488 = arith.cmpi slt, %select_n3A_481, %lt3A_487 : i32
      %ne3A_489 = arith.xori %lt3A_486, %lt3A_488 : i1
      %and3A_490 = arith.andi %ne3A_489, %ne3A_484 : i1
      %add3A_491 = arith.addi %rem3A_482, %select_n3A_481 : i32
      %select_n3A_492 = arith.select %and3A_490, %add3A_491, %rem3A_482 : i32
      %mul3A_493 = arith.constant 32 : i32
      %mul3A_494 = arith.muli %select_n3A_492, %mul3A_493 : i32
      %dma_wait3A_495 = arith.constant 0 : i32
      %dma_wait3A_496 = tpu.memref_slice %arg5[%select_n3A_476, %mul3A_494] : memref<16x128xi32, #tpu.memory_space<vmem>> -> memref<1x32xi32, #tpu.memory_space<vmem>>
      %dma_wait3A_497 = tpu.memref_squeeze %dma_wait3A_496 : memref<1x32xi32, #tpu.memory_space<vmem>> -> memref<32xi32, #tpu.memory_space<vmem>>
      %dma_wait3A_498 = arith.constant 0 : i32
      %dma_wait3A_499 = arith.constant 0 : i32
      %dma_wait3A_500 = tpu.memref_slice %arg2[%dma_wait3A_495, %dma_wait3A_498, %dma_wait3A_499] : memref<8x100000x128xf32, #tpu.memory_space<hbm>> -> memref<1x100000x128xf32, #tpu.memory_space<hbm>>
      %dma_wait3A_501 = tpu.memref_squeeze %dma_wait3A_500 : memref<1x100000x128xf32, #tpu.memory_space<hbm>> -> memref<100000x128xf32, #tpu.memory_space<hbm>>
      %dma_wait3A_502 = arith.constant 0 : i32
      %dma_wait3A_503 = arith.constant 0 : i32
      %dma_wait3A_504 = tpu.memref_slice %dma_wait3A_501[%dma_wait3A_502, %dma_wait3A_503] : memref<100000x128xf32, #tpu.memory_space<hbm>> -> memref<100000x128xf32, #tpu.memory_space<hbm>>
      tpu.wait_indirect_dma semaphore(%arg31 : memref<!tpu.dma_semaphore, #tpu.memory_space<semaphore_mem>>) src(%dma_wait3A_504 : memref<100000x128xf32, #tpu.memory_space<hbm>>) dst(%arg21 : memref<32x128xf32, #tpu.memory_space<vmem>>)
      %dma_wait3A_505 = arith.constant 1 : i32
      %dma_wait3A_506 = tpu.memref_slice %arg6[%select_n3A_476, %mul3A_494] : memref<16x128xi32, #tpu.memory_space<vmem>> -> memref<1x32xi32, #tpu.memory_space<vmem>>
      %dma_wait3A_507 = tpu.memref_squeeze %dma_wait3A_506 : memref<1x32xi32, #tpu.memory_space<vmem>> -> memref<32xi32, #tpu.memory_space<vmem>>
      %dma_wait3A_508 = arith.constant 0 : i32
      %dma_wait3A_509 = arith.constant 0 : i32
      %dma_wait3A_510 = tpu.memref_slice %arg2[%dma_wait3A_505, %dma_wait3A_508, %dma_wait3A_509] : memref<8x100000x128xf32, #tpu.memory_space<hbm>> -> memref<1x100000x128xf32, #tpu.memory_space<hbm>>
      %dma_wait3A_511 = tpu.memref_squeeze %dma_wait3A_510 : memref<1x100000x128xf32, #tpu.memory_space<hbm>> -> memref<100000x128xf32, #tpu.memory_space<hbm>>
      %dma_wait3A_512 = arith.constant 0 : i32
      %dma_wait3A_513 = arith.constant 0 : i32
      %dma_wait3A_514 = tpu.memref_slice %dma_wait3A_511[%dma_wait3A_512, %dma_wait3A_513] : memref<100000x128xf32, #tpu.memory_space<hbm>> -> memref<100000x128xf32, #tpu.memory_space<hbm>>
      tpu.wait_indirect_dma semaphore(%arg31 : memref<!tpu.dma_semaphore, #tpu.memory_space<semaphore_mem>>) src(%dma_wait3A_514 : memref<100000x128xf32, #tpu.memory_space<hbm>>) dst(%arg22 : memref<32x128xf32, #tpu.memory_space<vmem>>)
      %dma_wait3A_515 = arith.constant 2 : i32
      %dma_wait3A_516 = tpu.memref_slice %arg7[%select_n3A_476, %mul3A_494] : memref<16x128xi32, #tpu.memory_space<vmem>> -> memref<1x32xi32, #tpu.memory_space<vmem>>
      %dma_wait3A_517 = tpu.memref_squeeze %dma_wait3A_516 : memref<1x32xi32, #tpu.memory_space<vmem>> -> memref<32xi32, #tpu.memory_space<vmem>>
      %dma_wait3A_518 = arith.constant 0 : i32
      %dma_wait3A_519 = arith.constant 0 : i32
      %dma_wait3A_520 = tpu.memref_slice %arg2[%dma_wait3A_515, %dma_wait3A_518, %dma_wait3A_519] : memref<8x100000x128xf32, #tpu.memory_space<hbm>> -> memref<1x100000x128xf32, #tpu.memory_space<hbm>>
      %dma_wait3A_521 = tpu.memref_squeeze %dma_wait3A_520 : memref<1x100000x128xf32, #tpu.memory_space<hbm>> -> memref<100000x128xf32, #tpu.memory_space<hbm>>
      %dma_wait3A_522 = arith.constant 0 : i32
      %dma_wait3A_523 = arith.constant 0 : i32
      %dma_wait3A_524 = tpu.memref_slice %dma_wait3A_521[%dma_wait3A_522, %dma_wait3A_523] : memref<100000x128xf32, #tpu.memory_space<hbm>> -> memref<100000x128xf32, #tpu.memory_space<hbm>>
      tpu.wait_indirect_dma semaphore(%arg31 : memref<!tpu.dma_semaphore, #tpu.memory_space<semaphore_mem>>) src(%dma_wait3A_524 : memref<100000x128xf32, #tpu.memory_space<hbm>>) dst(%arg23 : memref<32x128xf32, #tpu.memory_space<vmem>>)
      %dma_wait3A_525 = arith.constant 3 : i32
      %dma_wait3A_526 = tpu.memref_slice %arg8[%select_n3A_476, %mul3A_494] : memref<16x128xi32, #tpu.memory_space<vmem>> -> memref<1x32xi32, #tpu.memory_space<vmem>>
      %dma_wait3A_527 = tpu.memref_squeeze %dma_wait3A_526 : memref<1x32xi32, #tpu.memory_space<vmem>> -> memref<32xi32, #tpu.memory_space<vmem>>
      %dma_wait3A_528 = arith.constant 0 : i32
      %dma_wait3A_529 = arith.constant 0 : i32
      %dma_wait3A_530 = tpu.memref_slice %arg2[%dma_wait3A_525, %dma_wait3A_528, %dma_wait3A_529] : memref<8x100000x128xf32, #tpu.memory_space<hbm>> -> memref<1x100000x128xf32, #tpu.memory_space<hbm>>
      %dma_wait3A_531 = tpu.memref_squeeze %dma_wait3A_530 : memref<1x100000x128xf32, #tpu.memory_space<hbm>> -> memref<100000x128xf32, #tpu.memory_space<hbm>>
      %dma_wait3A_532 = arith.constant 0 : i32
      %dma_wait3A_533 = arith.constant 0 : i32
      %dma_wait3A_534 = tpu.memref_slice %dma_wait3A_531[%dma_wait3A_532, %dma_wait3A_533] : memref<100000x128xf32, #tpu.memory_space<hbm>> -> memref<100000x128xf32, #tpu.memory_space<hbm>>
      tpu.wait_indirect_dma semaphore(%arg31 : memref<!tpu.dma_semaphore, #tpu.memory_space<semaphore_mem>>) src(%dma_wait3A_534 : memref<100000x128xf32, #tpu.memory_space<hbm>>) dst(%arg24 : memref<32x128xf32, #tpu.memory_space<vmem>>)
      %dma_wait3A_535 = arith.constant 4 : i32
      %dma_wait3A_536 = tpu.memref_slice %arg9[%select_n3A_476, %mul3A_494] : memref<16x128xi32, #tpu.memory_space<vmem>> -> memref<1x32xi32, #tpu.memory_space<vmem>>
      %dma_wait3A_537 = tpu.memref_squeeze %dma_wait3A_536 : memref<1x32xi32, #tpu.memory_space<vmem>> -> memref<32xi32, #tpu.memory_space<vmem>>
      %dma_wait3A_538 = arith.constant 0 : i32
      %dma_wait3A_539 = arith.constant 0 : i32
      %dma_wait3A_540 = tpu.memref_slice %arg2[%dma_wait3A_535, %dma_wait3A_538, %dma_wait3A_539] : memref<8x100000x128xf32, #tpu.memory_space<hbm>> -> memref<1x100000x128xf32, #tpu.memory_space<hbm>>
      %dma_wait3A_541 = tpu.memref_squeeze %dma_wait3A_540 : memref<1x100000x128xf32, #tpu.memory_space<hbm>> -> memref<100000x128xf32, #tpu.memory_space<hbm>>
      %dma_wait3A_542 = arith.constant 0 : i32
      %dma_wait3A_543 = arith.constant 0 : i32
      %dma_wait3A_544 = tpu.memref_slice %dma_wait3A_541[%dma_wait3A_542, %dma_wait3A_543] : memref<100000x128xf32, #tpu.memory_space<hbm>> -> memref<100000x128xf32, #tpu.memory_space<hbm>>
      tpu.wait_indirect_dma semaphore(%arg31 : memref<!tpu.dma_semaphore, #tpu.memory_space<semaphore_mem>>) src(%dma_wait3A_544 : memref<100000x128xf32, #tpu.memory_space<hbm>>) dst(%arg25 : memref<32x128xf32, #tpu.memory_space<vmem>>)
      %dma_wait3A_545 = arith.constant 5 : i32
      %dma_wait3A_546 = tpu.memref_slice %arg10[%select_n3A_476, %mul3A_494] : memref<16x128xi32, #tpu.memory_space<vmem>> -> memref<1x32xi32, #tpu.memory_space<vmem>>
      %dma_wait3A_547 = tpu.memref_squeeze %dma_wait3A_546 : memref<1x32xi32, #tpu.memory_space<vmem>> -> memref<32xi32, #tpu.memory_space<vmem>>
      %dma_wait3A_548 = arith.constant 0 : i32
      %dma_wait3A_549 = arith.constant 0 : i32
      %dma_wait3A_550 = tpu.memref_slice %arg2[%dma_wait3A_545, %dma_wait3A_548, %dma_wait3A_549] : memref<8x100000x128xf32, #tpu.memory_space<hbm>> -> memref<1x100000x128xf32, #tpu.memory_space<hbm>>
      %dma_wait3A_551 = tpu.memref_squeeze %dma_wait3A_550 : memref<1x100000x128xf32, #tpu.memory_space<hbm>> -> memref<100000x128xf32, #tpu.memory_space<hbm>>
      %dma_wait3A_552 = arith.constant 0 : i32
      %dma_wait3A_553 = arith.constant 0 : i32
      %dma_wait3A_554 = tpu.memref_slice %dma_wait3A_551[%dma_wait3A_552, %dma_wait3A_553] : memref<100000x128xf32, #tpu.memory_space<hbm>> -> memref<100000x128xf32, #tpu.memory_space<hbm>>
      tpu.wait_indirect_dma semaphore(%arg31 : memref<!tpu.dma_semaphore, #tpu.memory_space<semaphore_mem>>) src(%dma_wait3A_554 : memref<100000x128xf32, #tpu.memory_space<hbm>>) dst(%arg26 : memref<32x128xf32, #tpu.memory_space<vmem>>)
      %dma_wait3A_555 = arith.constant 6 : i32
      %dma_wait3A_556 = tpu.memref_slice %arg11[%select_n3A_476, %mul3A_494] : memref<16x128xi32, #tpu.memory_space<vmem>> -> memref<1x32xi32, #tpu.memory_space<vmem>>
      %dma_wait3A_557 = tpu.memref_squeeze %dma_wait3A_556 : memref<1x32xi32, #tpu.memory_space<vmem>> -> memref<32xi32, #tpu.memory_space<vmem>>
      %dma_wait3A_558 = arith.constant 0 : i32
      %dma_wait3A_559 = arith.constant 0 : i32
      %dma_wait3A_560 = tpu.memref_slice %arg2[%dma_wait3A_555, %dma_wait3A_558, %dma_wait3A_559] : memref<8x100000x128xf32, #tpu.memory_space<hbm>> -> memref<1x100000x128xf32, #tpu.memory_space<hbm>>
      %dma_wait3A_561 = tpu.memref_squeeze %dma_wait3A_560 : memref<1x100000x128xf32, #tpu.memory_space<hbm>> -> memref<100000x128xf32, #tpu.memory_space<hbm>>
      %dma_wait3A_562 = arith.constant 0 : i32
      %dma_wait3A_563 = arith.constant 0 : i32
      %dma_wait3A_564 = tpu.memref_slice %dma_wait3A_561[%dma_wait3A_562, %dma_wait3A_563] : memref<100000x128xf32, #tpu.memory_space<hbm>> -> memref<100000x128xf32, #tpu.memory_space<hbm>>
      tpu.wait_indirect_dma semaphore(%arg31 : memref<!tpu.dma_semaphore, #tpu.memory_space<semaphore_mem>>) src(%dma_wait3A_564 : memref<100000x128xf32, #tpu.memory_space<hbm>>) dst(%arg27 : memref<32x128xf32, #tpu.memory_space<vmem>>)
      %dma_wait3A_565 = arith.constant 7 : i32
      %dma_wait3A_566 = tpu.memref_slice %arg12[%select_n3A_476, %mul3A_494] : memref<16x128xi32, #tpu.memory_space<vmem>> -> memref<1x32xi32, #tpu.memory_space<vmem>>
      %dma_wait3A_567 = tpu.memref_squeeze %dma_wait3A_566 : memref<1x32xi32, #tpu.memory_space<vmem>> -> memref<32xi32, #tpu.memory_space<vmem>>
      %dma_wait3A_568 = arith.constant 0 : i32
      %dma_wait3A_569 = arith.constant 0 : i32
      %dma_wait3A_570 = tpu.memref_slice %arg2[%dma_wait3A_565, %dma_wait3A_568, %dma_wait3A_569] : memref<8x100000x128xf32, #tpu.memory_space<hbm>> -> memref<1x100000x128xf32, #tpu.memory_space<hbm>>
      %dma_wait3A_571 = tpu.memref_squeeze %dma_wait3A_570 : memref<1x100000x128xf32, #tpu.memory_space<hbm>> -> memref<100000x128xf32, #tpu.memory_space<hbm>>
      %dma_wait3A_572 = arith.constant 0 : i32
      %dma_wait3A_573 = arith.constant 0 : i32
      %dma_wait3A_574 = tpu.memref_slice %dma_wait3A_571[%dma_wait3A_572, %dma_wait3A_573] : memref<100000x128xf32, #tpu.memory_space<hbm>> -> memref<100000x128xf32, #tpu.memory_space<hbm>>
      tpu.wait_indirect_dma semaphore(%arg31 : memref<!tpu.dma_semaphore, #tpu.memory_space<semaphore_mem>>) src(%dma_wait3A_574 : memref<100000x128xf32, #tpu.memory_space<hbm>>) dst(%arg28 : memref<32x128xf32, #tpu.memory_space<vmem>>)
      %add3A_575 = arith.constant 1 : i32
      %add3A_576 = arith.addi %mul3A_203, %add3A_575 : i32
      %scan3A_577 = arith.constant 0 : i32
      %scan3A_578 = arith.constant 32 : i32
      %scan3A_579 = arith.addi %scan3A_577, %scan3A_578 : i32
      %scan3A_580 = arith.constant 1 : i32
      scf.for %scan3A_585 = %scan3A_577 to %scan3A_579 step %scan3A_580  : i32 {
        %mul3A_586 = arith.constant 1 : i32
        %mul3A_587 = arith.muli %scan3A_585, %mul3A_586 : i32
        %add3A_588 = arith.constant 0 : i32
        %add3A_589 = arith.addi %add3A_588, %mul3A_587 : i32
        %get3A = arith.index_cast %add3A_589 : i32 to index
        %get3A_590 = arith.constant 0 : index
        %get3A_591 = tpu.vector_load %arg21[%get3A, %get3A_590] {strides = array<i32>} : memref<32x128xf32, #tpu.memory_space<vmem>>, vector<1x16xf32>,
        %get3A_592 = vector.shape_cast %get3A_591 : vector<1x16xf32> to vector<16xf32>
        %get3A_593 = arith.index_cast %add3A_589 : i32 to index
        %get3A_594 = arith.constant 0 : index
        %get3A_595 = tpu.vector_load %arg22[%get3A_593, %get3A_594] {strides = array<i32>} : memref<32x128xf32, #tpu.memory_space<vmem>>, vector<1x16xf32>,
        %get3A_596 = vector.shape_cast %get3A_595 : vector<1x16xf32> to vector<16xf32>
        %add3A_597 = arith.addf %get3A_592, %get3A_596 : vector<16xf32>
        %get3A_598 = arith.index_cast %add3A_589 : i32 to index
        %get3A_599 = arith.constant 0 : index
        %get3A_600 = tpu.vector_load %arg23[%get3A_598, %get3A_599] {strides = array<i32>} : memref<32x128xf32, #tpu.memory_space<vmem>>, vector<1x16xf32>,
        %get3A_601 = vector.shape_cast %get3A_600 : vector<1x16xf32> to vector<16xf32>
        %add3A_602 = arith.addf %add3A_597, %get3A_601 : vector<16xf32>
        %get3A_603 = arith.index_cast %add3A_589 : i32 to index
        %get3A_604 = arith.constant 0 : index
        %get3A_605 = tpu.vector_load %arg24[%get3A_603, %get3A_604] {strides = array<i32>} : memref<32x128xf32, #tpu.memory_space<vmem>>, vector<1x16xf32>,
        %get3A_606 = vector.shape_cast %get3A_605 : vector<1x16xf32> to vector<16xf32>
        %add3A_607 = arith.addf %add3A_602, %get3A_606 : vector<16xf32>
        %get3A_608 = arith.index_cast %add3A_589 : i32 to index
        %get3A_609 = arith.constant 0 : index
        %get3A_610 = tpu.vector_load %arg25[%get3A_608, %get3A_609] {strides = array<i32>} : memref<32x128xf32, #tpu.memory_space<vmem>>, vector<1x16xf32>,
        %get3A_611 = vector.shape_cast %get3A_610 : vector<1x16xf32> to vector<16xf32>
        %add3A_612 = arith.addf %add3A_607, %get3A_611 : vector<16xf32>
        %get3A_613 = arith.index_cast %add3A_589 : i32 to index
        %get3A_614 = arith.constant 0 : index
        %get3A_615 = tpu.vector_load %arg26[%get3A_613, %get3A_614] {strides = array<i32>} : memref<32x128xf32, #tpu.memory_space<vmem>>, vector<1x16xf32>,
        %get3A_616 = vector.shape_cast %get3A_615 : vector<1x16xf32> to vector<16xf32>
        %add3A_617 = arith.addf %add3A_612, %get3A_616 : vector<16xf32>
        %get3A_618 = arith.index_cast %add3A_589 : i32 to index
        %get3A_619 = arith.constant 0 : index
        %get3A_620 = tpu.vector_load %arg27[%get3A_618, %get3A_619] {strides = array<i32>} : memref<32x128xf32, #tpu.memory_space<vmem>>, vector<1x16xf32>,
        %get3A_621 = vector.shape_cast %get3A_620 : vector<1x16xf32> to vector<16xf32>
        %add3A_622 = arith.addf %add3A_617, %get3A_621 : vector<16xf32>
        %get3A_623 = arith.index_cast %add3A_589 : i32 to index
        %get3A_624 = arith.constant 0 : index
        %get3A_625 = tpu.vector_load %arg28[%get3A_623, %get3A_624] {strides = array<i32>} : memref<32x128xf32, #tpu.memory_space<vmem>>, vector<1x16xf32>,
        %get3A_626 = vector.shape_cast %get3A_625 : vector<1x16xf32> to vector<16xf32>
        %add3A_627 = arith.addf %add3A_622, %get3A_626 : vector<16xf32>
        %swap3A = arith.index_cast %add3A_589 : i32 to index
        %swap3A_628 = arith.constant 0 : index
        %swap3A_629 = tpu.vector_load %arg21[%swap3A, %swap3A_628] {strides = array<i32>} : memref<32x128xf32, #tpu.memory_space<vmem>>, vector<1x16xf32>,
        %swap3A_630 = vector.shape_cast %swap3A_629 : vector<1x16xf32> to vector<16xf32>
        %swap3A_631 = vector.shape_cast %add3A_627 : vector<16xf32> to vector<1x16xf32>
        tpu.vector_store %arg21[%swap3A, %swap3A_628], %swap3A_631 {strides = array<i32>} : memref<32x128xf32, #tpu.memory_space<vmem>>, vector<1x16xf32>,
        %get3A_632 = arith.index_cast %add3A_589 : i32 to index
        %get3A_633 = arith.constant 16 : index
        %get3A_634 = tpu.vector_load %arg21[%get3A_632, %get3A_633] {strides = array<i32>} : memref<32x128xf32, #tpu.memory_space<vmem>>, vector<1x16xf32>,
        %get3A_635 = vector.shape_cast %get3A_634 : vector<1x16xf32> to vector<16xf32>
        %get3A_636 = arith.index_cast %add3A_589 : i32 to index
        %get3A_637 = arith.constant 16 : index
        %get3A_638 = tpu.vector_load %arg22[%get3A_636, %get3A_637] {strides = array<i32>} : memref<32x128xf32, #tpu.memory_space<vmem>>, vector<1x16xf32>,
        %get3A_639 = vector.shape_cast %get3A_638 : vector<1x16xf32> to vector<16xf32>
        %add3A_640 = arith.addf %get3A_635, %get3A_639 : vector<16xf32>
        %get3A_641 = arith.index_cast %add3A_589 : i32 to index
        %get3A_642 = arith.constant 16 : index
        %get3A_643 = tpu.vector_load %arg23[%get3A_641, %get3A_642] {strides = array<i32>} : memref<32x128xf32, #tpu.memory_space<vmem>>, vector<1x16xf32>,
        %get3A_644 = vector.shape_cast %get3A_643 : vector<1x16xf32> to vector<16xf32>
        %add3A_645 = arith.addf %add3A_640, %get3A_644 : vector<16xf32>
        %get3A_646 = arith.index_cast %add3A_589 : i32 to index
        %get3A_647 = arith.constant 16 : index
        %get3A_648 = tpu.vector_load %arg24[%get3A_646, %get3A_647] {strides = array<i32>} : memref<32x128xf32, #tpu.memory_space<vmem>>, vector<1x16xf32>,
        %get3A_649 = vector.shape_cast %get3A_648 : vector<1x16xf32> to vector<16xf32>
        %add3A_650 = arith.addf %add3A_645, %get3A_649 : vector<16xf32>
        %get3A_651 = arith.index_cast %add3A_589 : i32 to index
        %get3A_652 = arith.constant 16 : index
        %get3A_653 = tpu.vector_load %arg25[%get3A_651, %get3A_652] {strides = array<i32>} : memref<32x128xf32, #tpu.memory_space<vmem>>, vector<1x16xf32>,
        %get3A_654 = vector.shape_cast %get3A_653 : vector<1x16xf32> to vector<16xf32>
        %add3A_655 = arith.addf %add3A_650, %get3A_654 : vector<16xf32>
        %get3A_656 = arith.index_cast %add3A_589 : i32 to index
        %get3A_657 = arith.constant 16 : index
        %get3A_658 = tpu.vector_load %arg26[%get3A_656, %get3A_657] {strides = array<i32>} : memref<32x128xf32, #tpu.memory_space<vmem>>, vector<1x16xf32>,
        %get3A_659 = vector.shape_cast %get3A_658 : vector<1x16xf32> to vector<16xf32>
        %add3A_660 = arith.addf %add3A_655, %get3A_659 : vector<16xf32>
        %get3A_661 = arith.index_cast %add3A_589 : i32 to index
        %get3A_662 = arith.constant 16 : index
        %get3A_663 = tpu.vector_load %arg27[%get3A_661, %get3A_662] {strides = array<i32>} : memref<32x128xf32, #tpu.memory_space<vmem>>, vector<1x16xf32>,
        %get3A_664 = vector.shape_cast %get3A_663 : vector<1x16xf32> to vector<16xf32>
        %add3A_665 = arith.addf %add3A_660, %get3A_664 : vector<16xf32>
        %get3A_666 = arith.index_cast %add3A_589 : i32 to index
        %get3A_667 = arith.constant 16 : index
        %get3A_668 = tpu.vector_load %arg28[%get3A_666, %get3A_667] {strides = array<i32>} : memref<32x128xf32, #tpu.memory_space<vmem>>, vector<1x16xf32>,
        %get3A_669 = vector.shape_cast %get3A_668 : vector<1x16xf32> to vector<16xf32>
        %add3A_670 = arith.addf %add3A_665, %get3A_669 : vector<16xf32>
        %swap3A_671 = arith.index_cast %add3A_589 : i32 to index
        %swap3A_672 = arith.constant 16 : index
        %swap3A_673 = tpu.vector_load %arg21[%swap3A_671, %swap3A_672] {strides = array<i32>} : memref<32x128xf32, #tpu.memory_space<vmem>>, vector<1x16xf32>,
        %swap3A_674 = vector.shape_cast %swap3A_673 : vector<1x16xf32> to vector<16xf32>
        %swap3A_675 = vector.shape_cast %add3A_670 : vector<16xf32> to vector<1x16xf32>
        tpu.vector_store %arg21[%swap3A_671, %swap3A_672], %swap3A_675 {strides = array<i32>} : memref<32x128xf32, #tpu.memory_space<vmem>>, vector<1x16xf32>,
        %get3A_676 = arith.index_cast %add3A_589 : i32 to index
        %get3A_677 = arith.constant 32 : index
        %get3A_678 = tpu.vector_load %arg21[%get3A_676, %get3A_677] {strides = array<i32>} : memref<32x128xf32, #tpu.memory_space<vmem>>, vector<1x16xf32>,
        %get3A_679 = vector.shape_cast %get3A_678 : vector<1x16xf32> to vector<16xf32>
        %get3A_680 = arith.index_cast %add3A_589 : i32 to index
        %get3A_681 = arith.constant 32 : index
        %get3A_682 = tpu.vector_load %arg22[%get3A_680, %get3A_681] {strides = array<i32>} : memref<32x128xf32, #tpu.memory_space<vmem>>, vector<1x16xf32>,
        %get3A_683 = vector.shape_cast %get3A_682 : vector<1x16xf32> to vector<16xf32>
        %add3A_684 = arith.addf %get3A_679, %get3A_683 : vector<16xf32>
        %get3A_685 = arith.index_cast %add3A_589 : i32 to index
        %get3A_686 = arith.constant 32 : index
        %get3A_687 = tpu.vector_load %arg23[%get3A_685, %get3A_686] {strides = array<i32>} : memref<32x128xf32, #tpu.memory_space<vmem>>, vector<1x16xf32>,
        %get3A_688 = vector.shape_cast %get3A_687 : vector<1x16xf32> to vector<16xf32>
        %add3A_689 = arith.addf %add3A_684, %get3A_688 : vector<16xf32>
        %get3A_690 = arith.index_cast %add3A_589 : i32 to index
        %get3A_691 = arith.constant 32 : index
        %get3A_692 = tpu.vector_load %arg24[%get3A_690, %get3A_691] {strides = array<i32>} : memref<32x128xf32, #tpu.memory_space<vmem>>, vector<1x16xf32>,
        %get3A_693 = vector.shape_cast %get3A_692 : vector<1x16xf32> to vector<16xf32>
        %add3A_694 = arith.addf %add3A_689, %get3A_693 : vector<16xf32>
        %get3A_695 = arith.index_cast %add3A_589 : i32 to index
        %get3A_696 = arith.constant 32 : index
        %get3A_697 = tpu.vector_load %arg25[%get3A_695, %get3A_696] {strides = array<i32>} : memref<32x128xf32, #tpu.memory_space<vmem>>, vector<1x16xf32>,
        %get3A_698 = vector.shape_cast %get3A_697 : vector<1x16xf32> to vector<16xf32>
        %add3A_699 = arith.addf %add3A_694, %get3A_698 : vector<16xf32>
        %get3A_700 = arith.index_cast %add3A_589 : i32 to index
        %get3A_701 = arith.constant 32 : index
        %get3A_702 = tpu.vector_load %arg26[%get3A_700, %get3A_701] {strides = array<i32>} : memref<32x128xf32, #tpu.memory_space<vmem>>, vector<1x16xf32>,
        %get3A_703 = vector.shape_cast %get3A_702 : vector<1x16xf32> to vector<16xf32>
        %add3A_704 = arith.addf %add3A_699, %get3A_703 : vector<16xf32>
        %get3A_705 = arith.index_cast %add3A_589 : i32 to index
        %get3A_706 = arith.constant 32 : index
        %get3A_707 = tpu.vector_load %arg27[%get3A_705, %get3A_706] {strides = array<i32>} : memref<32x128xf32, #tpu.memory_space<vmem>>, vector<1x16xf32>,
        %get3A_708 = vector.shape_cast %get3A_707 : vector<1x16xf32> to vector<16xf32>
        %add3A_709 = arith.addf %add3A_704, %get3A_708 : vector<16xf32>
        %get3A_710 = arith.index_cast %add3A_589 : i32 to index
        %get3A_711 = arith.constant 32 : index
        %get3A_712 = tpu.vector_load %arg28[%get3A_710, %get3A_711] {strides = array<i32>} : memref<32x128xf32, #tpu.memory_space<vmem>>, vector<1x16xf32>,
        %get3A_713 = vector.shape_cast %get3A_712 : vector<1x16xf32> to vector<16xf32>
        %add3A_714 = arith.addf %add3A_709, %get3A_713 : vector<16xf32>
        %swap3A_715 = arith.index_cast %add3A_589 : i32 to index
        %swap3A_716 = arith.constant 32 : index
        %swap3A_717 = tpu.vector_load %arg21[%swap3A_715, %swap3A_716] {strides = array<i32>} : memref<32x128xf32, #tpu.memory_space<vmem>>, vector<1x16xf32>,
        %swap3A_718 = vector.shape_cast %swap3A_717 : vector<1x16xf32> to vector<16xf32>
        %swap3A_719 = vector.shape_cast %add3A_714 : vector<16xf32> to vector<1x16xf32>
        tpu.vector_store %arg21[%swap3A_715, %swap3A_716], %swap3A_719 {strides = array<i32>} : memref<32x128xf32, #tpu.memory_space<vmem>>, vector<1x16xf32>,
        %get3A_720 = arith.index_cast %add3A_589 : i32 to index
        %get3A_721 = arith.constant 48 : index
        %get3A_722 = tpu.vector_load %arg21[%get3A_720, %get3A_721] {strides = array<i32>} : memref<32x128xf32, #tpu.memory_space<vmem>>, vector<1x16xf32>,
        %get3A_723 = vector.shape_cast %get3A_722 : vector<1x16xf32> to vector<16xf32>
        %get3A_724 = arith.index_cast %add3A_589 : i32 to index
        %get3A_725 = arith.constant 48 : index
        %get3A_726 = tpu.vector_load %arg22[%get3A_724, %get3A_725] {strides = array<i32>} : memref<32x128xf32, #tpu.memory_space<vmem>>, vector<1x16xf32>,
        %get3A_727 = vector.shape_cast %get3A_726 : vector<1x16xf32> to vector<16xf32>
        %add3A_728 = arith.addf %get3A_723, %get3A_727 : vector<16xf32>
        %get3A_729 = arith.index_cast %add3A_589 : i32 to index
        %get3A_730 = arith.constant 48 : index
        %get3A_731 = tpu.vector_load %arg23[%get3A_729, %get3A_730] {strides = array<i32>} : memref<32x128xf32, #tpu.memory_space<vmem>>, vector<1x16xf32>,
        %get3A_732 = vector.shape_cast %get3A_731 : vector<1x16xf32> to vector<16xf32>
        %add3A_733 = arith.addf %add3A_728, %get3A_732 : vector<16xf32>
        %get3A_734 = arith.index_cast %add3A_589 : i32 to index
        %get3A_735 = arith.constant 48 : index
        %get3A_736 = tpu.vector_load %arg24[%get3A_734, %get3A_735] {strides = array<i32>} : memref<32x128xf32, #tpu.memory_space<vmem>>, vector<1x16xf32>,
        %get3A_737 = vector.shape_cast %get3A_736 : vector<1x16xf32> to vector<16xf32>
        %add3A_738 = arith.addf %add3A_733, %get3A_737 : vector<16xf32>
        %get3A_739 = arith.index_cast %add3A_589 : i32 to index
        %get3A_740 = arith.constant 48 : index
        %get3A_741 = tpu.vector_load %arg25[%get3A_739, %get3A_740] {strides = array<i32>} : memref<32x128xf32, #tpu.memory_space<vmem>>, vector<1x16xf32>,
        %get3A_742 = vector.shape_cast %get3A_741 : vector<1x16xf32> to vector<16xf32>
        %add3A_743 = arith.addf %add3A_738, %get3A_742 : vector<16xf32>
        %get3A_744 = arith.index_cast %add3A_589 : i32 to index
        %get3A_745 = arith.constant 48 : index
        %get3A_746 = tpu.vector_load %arg26[%get3A_744, %get3A_745] {strides = array<i32>} : memref<32x128xf32, #tpu.memory_space<vmem>>, vector<1x16xf32>,
        %get3A_747 = vector.shape_cast %get3A_746 : vector<1x16xf32> to vector<16xf32>
        %add3A_748 = arith.addf %add3A_743, %get3A_747 : vector<16xf32>
        %get3A_749 = arith.index_cast %add3A_589 : i32 to index
        %get3A_750 = arith.constant 48 : index
        %get3A_751 = tpu.vector_load %arg27[%get3A_749, %get3A_750] {strides = array<i32>} : memref<32x128xf32, #tpu.memory_space<vmem>>, vector<1x16xf32>,
        %get3A_752 = vector.shape_cast %get3A_751 : vector<1x16xf32> to vector<16xf32>
        %add3A_753 = arith.addf %add3A_748, %get3A_752 : vector<16xf32>
        %get3A_754 = arith.index_cast %add3A_589 : i32 to index
        %get3A_755 = arith.constant 48 : index
        %get3A_756 = tpu.vector_load %arg28[%get3A_754, %get3A_755] {strides = array<i32>} : memref<32x128xf32, #tpu.memory_space<vmem>>, vector<1x16xf32>,
        %get3A_757 = vector.shape_cast %get3A_756 : vector<1x16xf32> to vector<16xf32>
        %add3A_758 = arith.addf %add3A_753, %get3A_757 : vector<16xf32>
        %swap3A_759 = arith.index_cast %add3A_589 : i32 to index
        %swap3A_760 = arith.constant 48 : index
        %swap3A_761 = tpu.vector_load %arg21[%swap3A_759, %swap3A_760] {strides = array<i32>} : memref<32x128xf32, #tpu.memory_space<vmem>>, vector<1x16xf32>,
        %swap3A_762 = vector.shape_cast %swap3A_761 : vector<1x16xf32> to vector<16xf32>
        %swap3A_763 = vector.shape_cast %add3A_758 : vector<16xf32> to vector<1x16xf32>
        tpu.vector_store %arg21[%swap3A_759, %swap3A_760], %swap3A_763 {strides = array<i32>} : memref<32x128xf32, #tpu.memory_space<vmem>>, vector<1x16xf32>,
      }
      %scan3A_581 = arith.constant 32 : i32
      %mul3A_582 = arith.constant 32 : i32
      %mul3A_583 = arith.muli %add3A_576, %mul3A_582 : i32
      %add3A_584 = arith.addi %mul3A_2, %mul3A_583 : i32
      "tpu.region"() ({
        %run_scoped3A = tpu.sem_alloc : memref<!tpu.dma_semaphore, #tpu.memory_space<semaphore_mem>>
        %dma_start3A_585 = arith.constant 0 : i32
        %dma_start3A_586 = tpu.memref_slice %arg4[%add3A_584, %dma_start3A_585] : memref<51200x128xf32, #tpu.memory_space<hbm>> -> memref<32x128xf32, #tpu.memory_space<hbm>>
        %dma_start3A_587 = arith.constant 0 : i32
        %dma_start3A_588 = tpu.memref_slice %arg4[%add3A_584, %dma_start3A_587] : memref<51200x128xf32, #tpu.memory_space<hbm>> -> memref<32x128xf32, #tpu.memory_space<hbm>>
        tpu.enqueue_dma source(%arg21 : memref<32x128xf32, #tpu.memory_space<vmem>>) target(%dma_start3A_588 : memref<32x128xf32, #tpu.memory_space<hbm>>) target_semaphore(%run_scoped3A : memref<!tpu.dma_semaphore, #tpu.memory_space<semaphore_mem>>)
        %dma_wait3A_589 = arith.constant 0 : i32
        %dma_wait3A_590 = tpu.memref_slice %arg4[%add3A_584, %dma_wait3A_589] : memref<51200x128xf32, #tpu.memory_space<hbm>> -> memref<32x128xf32, #tpu.memory_space<hbm>>
        %dma_wait3A_591 = arith.constant 0 : i32
        %dma_wait3A_592 = tpu.memref_slice %arg4[%add3A_584, %dma_wait3A_591] : memref<51200x128xf32, #tpu.memory_space<hbm>> -> memref<32x128xf32, #tpu.memory_space<hbm>>
        tpu.wait_dma2 semaphore(%run_scoped3A : memref<!tpu.dma_semaphore, #tpu.memory_space<semaphore_mem>>) src(%arg21 : memref<32x128xf32, #tpu.memory_space<vmem>>) dst(%dma_wait3A_592 : memref<32x128xf32, #tpu.memory_space<hbm>>)
        tpu.yield
      }) : () -> ()
    }
    %scan3A_196 = arith.constant 25 : i32
    return
  }
}

module attributes {stable_mosaic.version = 14 : i64} {
  func.func @body(%arg0: i32, %arg1: memref<1024x128xf32, #tpu.memory_space<vmem>>, %arg2: memref<64x64xf32, #tpu.memory_space<vmem>>, %arg3: memref<1x64xf32, #tpu.memory_space<vmem>>, %arg4: memref<1x64xf32, #tpu.memory_space<vmem>>, %arg5: memref<1x64xf32, #tpu.memory_space<vmem>>, %arg6: memref<1x64x1024xf32, #tpu.memory_space<vmem>>) attributes {dimension_semantics = [#tpu.dimension_semantics<arbitrary>], iteration_bounds = array<i64: 50>, scalar_prefetch = 0 : i64, scratch_operands = 0 : i64, tpu.core_type = #tpu.core_type<tc>, window_params = [{transform_indices = @transform_0, window_bounds = array<i64: 1024, 128>}, {pipeline_mode = #tpu.pipeline_mode<synchronous>, transform_indices = @transform_1, window_bounds = array<i64: 64, 64>}, {pipeline_mode = #tpu.pipeline_mode<synchronous>, transform_indices = @transform_2, window_bounds = array<i64: 1, 64>}, {pipeline_mode = #tpu.pipeline_mode<synchronous>, transform_indices = @transform_3, window_bounds = array<i64: 1, 64>}, {pipeline_mode = #tpu.pipeline_mode<synchronous>, transform_indices = @transform_4, window_bounds = array<i64: 1, 64>}, {transform_indices = @transform_5, window_bounds = array<i64: 1, 64, 1024>}]} {
    %get3A = arith.constant 0 : index
    %get3A_0 = arith.constant 0 : index
    %get3A_1 = vector.load %arg1[%get3A, %get3A_0] : memref<1024x128xf32, #tpu.memory_space<vmem>>, vector<1024x64xf32>
    %get3A_2 = arith.constant 0 : index
    %get3A_3 = arith.constant 0 : index
    %get3A_4 = vector.load %arg2[%get3A_2, %get3A_3] : memref<64x64xf32, #tpu.memory_space<vmem>>, vector<64x64xf32>
    %dot_general3A = arith.constant dense<0.000000e+00> : vector<1024x64xf32>
    %dot_general3A_5 = tpu.matmul %get3A_1, %get3A_4, %dot_general3A {dimension_numbers = #tpu.dot_dimension_numbers<[1], [0], [0], [1], [0, 0, 1, 1], [], []>, transpose_lhs_hint = false} : vector<1024x64xf32>, vector<64x64xf32>, vector<1024x64xf32> -> vector<1024x64xf32>
    %get3A_6 = arith.constant 0 : index
    %get3A_7 = arith.constant 0 : index
    %get3A_8 = vector.load %arg3[%get3A_6, %get3A_7] : memref<1x64xf32, #tpu.memory_space<vmem>>, vector<1x64xf32>
    %add3A = vector.broadcast %get3A_8 : vector<1x64xf32> to vector<1024x64xf32>
    %add3A_9 = arith.addf %dot_general3A_5, %add3A : vector<1024x64xf32>
    %reduce_sum3A = arith.constant dense<0.000000e+00> : vector<1024xf32>
    %reduce_sum3A_10 = vector.multi_reduction <add>, %add3A_9, %reduce_sum3A [1] : vector<1024x64xf32> to vector<1024xf32>
    %broadcast_in_dim3A = vector.shape_cast %reduce_sum3A_10 : vector<1024xf32> to vector<1024x1xf32>
    %div3A = arith.constant 6.400000e+01 : f32
    %div3A_11 = vector.broadcast %div3A : f32 to vector<1024x1xf32>
    %div3A_12 = arith.divf %broadcast_in_dim3A, %div3A_11 : vector<1024x1xf32>
    %sub3A = vector.broadcast %div3A_12 : vector<1024x1xf32> to vector<1024x64xf32>
    %sub3A_13 = arith.subf %add3A_9, %sub3A : vector<1024x64xf32>
    %square3A = arith.mulf %sub3A_13, %sub3A_13 : vector<1024x64xf32>
    %reduce_sum3A_14 = arith.constant dense<0.000000e+00> : vector<1024xf32>
    %reduce_sum3A_15 = vector.multi_reduction <add>, %square3A, %reduce_sum3A_14 [1] : vector<1024x64xf32> to vector<1024xf32>
    %broadcast_in_dim3A_16 = vector.shape_cast %reduce_sum3A_15 : vector<1024xf32> to vector<1024x1xf32>
    %div3A_17 = arith.constant 6.400000e+01 : f32
    %div3A_18 = vector.broadcast %div3A_17 : f32 to vector<1024x1xf32>
    %div3A_19 = arith.divf %broadcast_in_dim3A_16, %div3A_18 : vector<1024x1xf32>
    %sub3A_20 = vector.broadcast %div3A_12 : vector<1024x1xf32> to vector<1024x64xf32>
    %sub3A_21 = arith.subf %add3A_9, %sub3A_20 : vector<1024x64xf32>
    %add3A_22 = arith.constant 9.99999974E-6 : f32
    %add3A_23 = vector.broadcast %add3A_22 : f32 to vector<1024x1xf32>
    %add3A_24 = arith.addf %div3A_19, %add3A_23 : vector<1024x1xf32>
    %rsqrt3A = math.rsqrt %add3A_24 : vector<1024x1xf32>
    %mul3A = vector.broadcast %rsqrt3A : vector<1024x1xf32> to vector<1024x64xf32>
    %mul3A_25 = arith.mulf %sub3A_21, %mul3A : vector<1024x64xf32>
    %get3A_26 = arith.constant 0 : index
    %get3A_27 = arith.constant 0 : index
    %get3A_28 = vector.load %arg4[%get3A_26, %get3A_27] : memref<1x64xf32, #tpu.memory_space<vmem>>, vector<1x64xf32>
    %mul3A_29 = vector.broadcast %get3A_28 : vector<1x64xf32> to vector<1024x64xf32>
    %mul3A_30 = arith.mulf %mul3A_25, %mul3A_29 : vector<1024x64xf32>
    %get3A_31 = arith.constant 0 : index
    %get3A_32 = arith.constant 0 : index
    %get3A_33 = vector.load %arg5[%get3A_31, %get3A_32] : memref<1x64xf32, #tpu.memory_space<vmem>>, vector<1x64xf32>
    %add3A_34 = vector.broadcast %get3A_33 : vector<1x64xf32> to vector<1024x64xf32>
    %add3A_35 = arith.addf %mul3A_30, %add3A_34 : vector<1024x64xf32>
    %max3A = arith.constant 0.000000e+00 : f32
    %max3A_36 = vector.broadcast %max3A : f32 to vector<1024x64xf32>
    %max3A_37 = arith.maximumf %add3A_35, %max3A_36 : vector<1024x64xf32>
    %transpose3A = tpu.transpose %max3A_37, [1, 0] : vector<1024x64xf32> -> vector<64x1024xf32>
    %swap3A = arith.constant 0 : index
    %swap3A_38 = arith.constant 0 : index
    %swap3A_39 = arith.constant 0 : index
    %swap3A_40 = vector.load %arg6[%swap3A, %swap3A_38, %swap3A_39] : memref<1x64x1024xf32, #tpu.memory_space<vmem>>, vector<1x64x1024xf32>
    %swap3A_41 = vector.shape_cast %swap3A_40 : vector<1x64x1024xf32> to vector<64x1024xf32>
    %swap3A_42 = vector.shape_cast %transpose3A : vector<64x1024xf32> to vector<1x64x1024xf32>
    tpu.vector_store %arg6[%swap3A, %swap3A_38, %swap3A_39], %swap3A_42 {strides = array<i32>} : memref<1x64x1024xf32, #tpu.memory_space<vmem>>, vector<1x64x1024xf32>,
    return
  }
  func.func @transform_0(%arg0: i32) -> (i32, i32) {
    %c0_i32 = arith.constant 0 : i32
    %c0_i32_0 = arith.constant 0 : i32
    return %arg0, %c0_i32 : i32, i32
  }
  func.func @transform_1(%arg0: i32) -> (i32, i32) {
    %c0_i32 = arith.constant 0 : i32
    %c0_i32_0 = arith.constant 0 : i32
    %c0_i32_1 = arith.constant 0 : i32
    return %c0_i32, %c0_i32_0 : i32, i32
  }
  func.func @transform_2(%arg0: i32) -> (i32, i32) {
    %c0_i32 = arith.constant 0 : i32
    %c0_i32_0 = arith.constant 0 : i32
    %c0_i32_1 = arith.constant 0 : i32
    return %c0_i32, %c0_i32_0 : i32, i32
  }
  func.func @transform_3(%arg0: i32) -> (i32, i32) {
    %c0_i32 = arith.constant 0 : i32
    %c0_i32_0 = arith.constant 0 : i32
    %c0_i32_1 = arith.constant 0 : i32
    return %c0_i32, %c0_i32_0 : i32, i32
  }
  func.func @transform_4(%arg0: i32) -> (i32, i32) {
    %c0_i32 = arith.constant 0 : i32
    %c0_i32_0 = arith.constant 0 : i32
    %c0_i32_1 = arith.constant 0 : i32
    return %c0_i32, %c0_i32_0 : i32, i32
  }
  func.func @transform_5(%arg0: i32) -> (i32, i32, i32) {
    %c0_i32 = arith.constant 0 : i32
    %c0_i32_0 = arith.constant 0 : i32
    %c0_i32_1 = arith.constant 0 : i32
    return %arg0, %c0_i32, %c0_i32_0 : i32, i32, i32
  }
}

</mosaic_0001>

<sc_bundles>
// kernel: kernel.4.cloned.1.call-start
scs
__scs_entry_jumppad:
0x0: {  	(pc) =	sbr.rel $0x88, $3  }
0x1: {  	(tag) =	ssettag $0x0;
	lr =	simm.s32 $0x1  }
0x2: {  	[smem:$0x3F9B] =	sst lr;
	_ =	strace $0xD0000000  }
0x3: {  	_ = 	snop  }
0x4: {  	_ = 	snop  }
0x5: {  	_ = 	snop  }
0x6: {  	_ = 	snop  }
0x7: {  	_ = 	snop  }
__scs_overlays_trampoline_lowered:
0x8: {  	[smem:$0x3FAA] =	sst s0  }
0x9: {  	[smem:$0x3FAB] =	sst s1  }
0xa: {  	[smem:$0x3FAC] =	sst s2  }
0xb: {  	[smem:$0x3FAD] =	sst s3  }
0xc: {  	[smem:$0x3FAE] =	sst s4  }
0xd: {  	[smem:$0x3FAF] =	sst s5  }
0xe: {  	[smem:$0x3FB0] =	sst s6  }
0xf: {  	[smem:$0x3FB1] =	sst s7  }
0x10: {  	[smem:$0x3FB2] =	sst s8  }
0x11: {  	[smem:$0x3FB3] =	sst s9;
	s0 =	simm.s32 @!p0 $0x0  }
0x12: {  	s1 =	sld [smem:$0x3F99];
	s0 =	simm.s32 @p0 $0x1  }
0x13: {  	[smem:$0x3FB4] =	sst s0;
	s0 =	simm.s32 @!p1 $0x0  }
0x14: {  	s2 =	sld [smem:$0x3F98];
	s0 =	simm.s32 @p1 $0x1  }
0x15: {  	[smem:$0x3FB5] =	sst s0;
	s0 =	simm.s32 @!p2 $0x0  }
0x16: {  	s3 =	sld [smem:$0x3FDB];
	s0 =	simm.s32 @p2 $0x1  }
0x17: {  	s4 =	simm.s32 $0x1BF5;
	[smem:$0x3FB7] =	sst s0  }
0x18: {  	s0 =	sld [smem:$0x3F9A];
	_ =	swait.ge [sflag:s4], $0x0  }
0x19: {  	s7 =	sld [smem:$0x3F9B]  }
0x1a: {  	s8 =	sadd.s32 $0xFFFFE003, lr  }
0x1b: {  	s9 =	sadd.s32 $0xFFFFFEF7, lr;
	s5 =	simm.s32 $0xFFFFFFFF;
	p2 =	slt.u32 s8, $0xFFFFF086  }
0x1c: {  	p1 =	slt.u32 s9, $0xF7A;
	s5 =	simm.s32 @!p2 $0x0  }
0x1d: {  	s5 =	simm.s32 @p1 $0x1;
	p0 =	seq.s32 s7, s2  }
0x1e: {  	s7 =	smul.u32 @!p0 $0xF7A, s2;
	p2 =	seq.s32 @!p0 s5, $0x0  }
0x1f: {  	s9 =	smul.u32 $0xF7A, s1;
	s8 =	simm.s32 @!p0 $0x1BF5;
	p2 =	por !p2, p0  }
0x20: {  	[sflag:s8] =	ssyncset.s32 @!p0 $0xFFFFF086;
	s6 =	sadd.s32 @!p0 s3, s7;
	s7 =	simm.s32 @!p0 $0x108  }
0x21: {  	s3 =	sadd.s32 s3, s9;
	s6 =	sadd.s32 @!p0 $0x88, s6;
	s7 =	simm.s32 @p2 $0x1082  }
0x22: {  	[simem:s7], [sflag:s8] =	dma.local @!p0 [hbm:s6], $0xF7A  }
0x23: {  	s9 =	sor.u32 $0xD0000000, s2;
	s6 =	simm.s32 $0x108;
	_ =	swait.ge @!p0 [sflag:s8], $0x0  }
0x24: {  	s3 =	sadd.s32 $0x88, s3;
	s6 =	simm.s32 @!p1 $0x1082;
	[sflag:s4] =	ssyncset.s32 $0xFFFFF086  }
0x25: {  	[simem:s6], [sflag:s4] =	dma.local [hbm:s3], $0xF7A  }
0x26: {  	[smem:$0x3F9B] =	sst s1;
	(tag) =	ssettag s2;
	_ =	strace s9  }
0x27: {  	s1 =	sld [smem:$0x3FAB]  }
0x28: {  	s2 =	sld [smem:$0x3FAC]  }
0x29: {  	s4 =	sld [smem:$0x3FAE]  }
0x2a: {  	p0 =	seq.s32 s5, $0x0;
	s5 =	sld [smem:$0x3FAF]  }
0x2b: {  	s6 =	sld [smem:$0x3FB0]  }
0x2c: {  	s7 =	sld [smem:$0x3FB1]  }
0x2d: {  	s3 =	simm.s32 $0x108;
	s8 =	sld [smem:$0x3FB2]  }
0x2e: {  	s3 =	simm.s32 @!p0 $0x1082;
	s9 =	sld [smem:$0x3FB3]  }
0x2f: {  	lr =	sadd.s32 s0, s3;
	s0 =	sld [smem:$0x3FAA]  }
0x30: {  	s3 =	sld [smem:$0x3FAD]  }
0x31: {  	[smem:$0x3FB6] =	sst s10  }
0x32: {  	s10 =	sld [smem:$0x3FB4];
	_ =	sdelay $0x3  }
0x33: {  	p0 =	seq.s32 s10, $0x1;
	s10 =	sld [smem:$0x3FB6];
	_ =	sdelay $0x3  }
0x34: {  	[smem:$0x3FB6] =	sst s10  }
0x35: {  	s10 =	sld [smem:$0x3FB5];
	_ =	sdelay $0x3  }
0x36: {  	p1 =	seq.s32 s10, $0x1;
	s10 =	sld [smem:$0x3FB6];
	_ =	sdelay $0x3  }
0x37: {  	[smem:$0x3FB6] =	sst s10  }
0x38: {  	s10 =	sld [smem:$0x3FB7]  }
0x39: {  	_ = 	snop;
	(pc) =	sbr.ind lr, $3  }
0x3a: {  	_ = 	snop  }
0x3b: {  	_ = 	snop  }
0x3c: {  	p2 =	seq.s32 s10, $0x1;
	s10 =	sld [smem:$0x3FB6]  }
0x3d: {  	_ =	shalt  }
0x3e: {  	_ =	shalt  }
0x3f: {  	_ =	shalt  }
0x40: {  	_ =	shalt  }
0x41: {  	_ =	shalt  }
0x42: {  	_ =	shalt  }
0x43: {  	_ =	shalt  }
0x44: {  	_ =	shalt  }
0x45: {  	_ =	shalt  }
0x46: {  	_ =	shalt  }
0x47: {  	_ =	shalt  }
0x48: {  	_ =	shalt  }
0x49: {  	_ =	shalt  }
0x4a: {  	_ =	shalt  }
0x4b: {  	_ =	shalt  }
0x4c: {  	_ =	shalt  }
0x4d: {  	_ =	shalt  }
0x4e: {  	_ =	shalt  }
0x4f: {  	_ =	shalt  }
0x50: {  	_ =	shalt  }
0x51: {  	_ =	shalt  }
0x52: {  	_ =	shalt  }
0x53: {  	_ =	shalt  }
0x54: {  	_ =	shalt  }
0x55: {  	_ =	shalt  }
0x56: {  	_ =	shalt  }
0x57: {  	_ =	shalt  }
0x58: {  	_ =	shalt  }
0x59: {  	_ =	shalt  }
0x5a: {  	_ =	shalt  }
0x5b: {  	_ =	shalt  }
0x5c: {  	_ =	shalt  }
0x5d: {  	_ =	shalt  }
0x5e: {  	_ =	shalt  }
0x5f: {  	_ =	shalt  }
0x60: {  	_ =	shalt  }
0x61: {  	_ =	shalt  }
0x62: {  	_ =	shalt  }
0x63: {  	_ =	shalt  }
0x64: {  	_ =	shalt  }
0x65: {  	_ =	shalt  }
0x66: {  	_ =	shalt  }
0x67: {  	_ =	shalt  }
0x68: {  	_ =	shalt  }
0x69: {  	_ =	shalt  }
0x6a: {  	_ =	shalt  }
0x6b: {  	_ =	shalt  }
0x6c: {  	_ =	shalt  }
0x6d: {  	_ =	shalt  }
0x6e: {  	_ =	shalt  }
0x6f: {  	_ =	shalt  }
0x70: {  	_ =	shalt  }
0x71: {  	_ =	shalt  }
0x72: {  	_ =	shalt  }
0x73: {  	_ =	shalt  }
0x74: {  	_ =	shalt  }
0x75: {  	_ =	shalt  }
0x76: {  	_ =	shalt  }
0x77: {  	_ =	shalt  }
0x78: {  	_ =	shalt  }
0x79: {  	_ =	shalt  }
0x7a: {  	_ =	shalt  }
0x7b: {  	_ =	shalt  }
0x7c: {  	_ =	shalt  }
0x7d: {  	_ =	shalt  }
0x7e: {  	_ =	shalt  }
0x7f: {  	_ =	shalt  }
0x80: {  	_ =	shalt  }
0x81: {  	_ =	shalt  }
0x82: {  	_ =	shalt  }
0x83: {  	_ =	shalt  }
0x84: {  	_ =	shalt  }
0x85: {  	_ =	shalt  }
0x86: {  	_ =	shalt  }
0x87: {  	_ =	shalt  }
.Lfunc_end0:
.L_simem_size_0:
called_computation_lowered:
.L_overlay_start_0:
0x88: {  	s2 =	sld [smem:$0x3FD9]  }
0x89: {  	s3 =	sld [smem:$0x3FFE];
	_ =	sdelay $0x1  }
0x8a: {  	s1 =	srdreg.scid  }
0x8b: {  	s0 =	sand.u32 $0x1, s1  }
0x8c: {  	s17 =	sshll.u32 s0, $0xA;
	s2 =	sadd.s32 s3, s2  }
0x8d: {  	s2 =	sadd.s32 s2, s17  }
0x8e: {  	[smem:$0x3FC2] =	sst s2  }
0x8f: {  	_ = 	snop  }
0x90: {  	s2 =	sld [smem:$0x3FD0];
	(tm) =	ssettm $0x1  }
0x91: {  	s18 =	sld [smem:$0x3FFB];
	_ =	sdelay $0x3  }
0x92: {  	_ =	strace s18  }
0x93: {  	s3 =	sld [smem:$0x3FFC];
	_ =	sdelay $0x3  }
0x94: {  	_ =	strace s3  }
0x95: {  	s3 =	sld [smem:$0x3FFD];
	_ =	sdelay $0x3  }
0x96: {  	_ =	strace s3  }
0x97: {  	_ =	strace $0x8FFFFFFF  }
0x98: {  	s19 =	sld [smem:$0x3FDB];
	_ =	sdelay $0x1  }
0x99: {  	s4 =	simm.s32 $_scs_section_size  }
0x9a: {  	s5 =	simm.s32 $_size__tile_overlayer_lowered;
	s6 =	simm.s32 $_tile_overlayer_lowered  }
0x9b: {  	s22 =	simm.s32 $0x1BFF;
	s21 =	sshll.u32 s6, $0x1;
	s3 =	sadd.s32 s4, s19  }
0x9c: {  	s7 =	simm.s32 $0x0;
	s20 =	sshll.u32 s5, $0x1;
	s5 =	sadd.s32 s21, s3  }
0x9d: {  	[timem:s7], [sflag:s22] =	dma.local [hbm:s5], s20  }
0x9e: {  	_ =	swait.ge [sflag:s22], s20  }
0x9f: {  	s4 =	ssub.s32 $0x0, s20;
	[sflag:s22] =	ssyncset.done $0x0  }
0xa0: {  	[sflag:s22] =	ssyncadd.s32 s4;
	_ =	sdelay $0x1  }
0xa1: {  	s23 =	simm.s32 $0x1B8B  }
0xa2: {  	_ =	swait.ge [sflag:s23], $0x1  }
0xa3: {  	[sflag:s23] =	ssyncset.done $0x0  }
0xa4: {  	s25 =	simm.s32 $0x1B8E;
	s24 =	sld [smem:$0x3FFE];
	[sflag:s23] =	ssyncadd.s32 $0xFFFFFFFF  }
0xa5: {  	s26 =	simm.s32 $execute0_lowered;
	[smem:$0x3FD2] =	sst s25  }
0xa6: {  	s5 =	sshll.u32 s26, $0x1;
	_ =	strace $0x80000046;
	[dreg:$0x1] =	wrdreg $0xFFFFFFFF  }
0xa7: {  	s28 =	simm.s32 $_size_execute0_lowered;
	s3 =	sadd.s32 s3, s5;
	[dreg:$0x0] =	wrdreg $0x0  }
0xa8: {  	s5 =	sshll.u32 s28, $0x1;
	[dreg:$0x2] =	wrdreg s3  }
0xa9: {  	[dreg:$0x3] =	wrdreg s5  }
0xaa: {  	[dreg:$0x4] =	wrdreg $0xC0  }
0xab: {  	_ =	task [dreg:s7], $0x5FFFF  }
0xac: {  	[dreg:$0x1] =	wrdreg $0xFFFFFFFF  }
0xad: {  	[dreg:$0x0] =	wrdreg $0x60  }
0xae: {  	[dreg:$0x2] =	wrdreg s24  }
0xaf: {  	[dreg:$0x3] =	wrdreg s2  }
0xb0: {  	[dreg:$0x4] =	wrdreg $0x9  }
0xb1: {  	_ =	task.clear_ibuf [dreg:s7], $0x5FFFF;
	_ =	strace $0x90000046  }
0xb2: {  	s29 =	simm.s32 $0x9;
	_ =	strace $0x80000048  }
0xb3: {  	_ =	swait.ge [sflag:s29], $0x1  }
0xb4: {  	[sflag:s29] =	ssyncadd.s32 $0xFFFFFFFF  }
0xb5: {  	_ =	strace $0x90000048  }
0xb6: {  	_ =	sfence  }
0xb7: {  	s30 =	sld [smem:$0x0];
	_ =	sdelay $0x2  }
0xb8: {  	s31 =	sshll.u32 s1, $0xD;
	s1 =	sshrl.u32 s1, $0x2  }
0xb9: {  	s3 =	sand.u32 $0x4000, s31;
	s1 =	sadd.s32 s1, s30  }
0xba: {  	s0 =	sor.u32 s3, s0;
	s1 =	sshll.u32 s1, $0x11  }
0xbb: {  	s0 =	sor.u32 s1, s0  }
0xbc: {  	s0 =	sadd.s32 $0x8F2B, s0  }
0xbd: {  	[sflag:s0] =	ssyncadd.remote.s32 $0x1  }
0xbe: {  	_ =	sfence.sel $0xFFFF  }
0xbf: {  	[dreg:$0x0] =	wrdreg $0xFFFFFFFF;
	(pc) =	sbr.abs _section_cstart, $3  }
0xc0: {  	[dreg:$0x1] =	wrdreg $0xFFFFFFFF  }
0xc1: {  	_ =	task.clear_ibuf [dreg:s7], $0x2FFFF;
	_ =	strace $0x9FFFFFFF  }
0xc2: {  	(tm) =	ssettm $0x7FFFFFFF  }
0xc3: {  	_ =	shalt  }
tec
execute0_lowered:
.L_overlay_start_1:
0x0: {  	(tag) =	ssettag $0x1  }
0x1: {  	s0 =	rddreg [dreg:$0x0]  }
0x2: {  	s1 =	rddreg [dreg:$0x1];
	s3 =	srdreg.scid  }
0x3: {  	s4 =	stileid.u32;
	s2 =	simm.s32 $0x0;
	s31 =	simm.s32 $0x20  }
0x4: {  	s8 =	simm.s32 $0xF000;
	s9 =	simm.s32 $0x10000;
	s10 =	simm.s32 $0x11000  }
0x5: {  	s11 =	simm.s32 $0x12000;
	s12 =	simm.s32 $0x13000;
	s30 =	simm.s32 $0x3000  }
0x6: {  	s5 =	sand.u32 $0x1, s3;
	s18 =	sshll.u32 s4, $0x1;
	s3 =	sadd.s32 $0xC35E00, s0  }
0x7: {  	[smem:$0x7FF] =	sst s2;
	s4 =	sadd.s32 $0xE00, s0;
	s13 =	sadd.s32 $0xDBC800, s0  }
0x8: {  	s14 =	sadd.s32 $0xF43200, s0;
	s15 =	sadd.s32 $0x10C9C00, s0;
	s6 =	sor.u32 s5, s18  }
0x9: {  	s16 =	sadd.s32 $0x1250600, s0;
	s17 =	sadd.s32 $0x155DA00, s0;
	s7 =	sshll.u32 s6, $0x8  }
0xa: {  	_ =	strace $0x80000047;
	s19 =	ssub.s32 $0x2, s5;
	s7 =	sadd.s32 s1, s7  }
0xb: {  	s18 =	sadd.s32 $0x13D7000, s0;
	s20 =	sadd.s32 $0x2000, s7;
	[dreg:$0x3] =	wrdreg s7  }
0xc: {  	s28 =	sshrl.u32 s19, $0x1;
	s21 =	sadd.s32 $0x4000, s7;
	[dreg:$0x4] =	wrdreg s20  }
0xd: {  	s1 =	ssub.s32 s19, s28;
	s22 =	sadd.s32 $0x6000, s7;
	[dreg:$0x5] =	wrdreg s21  }
0xe: {  	s19 =	sadd.s32 $0x16E4400, s0;
	s23 =	sadd.s32 $0x8000, s7;
	[dreg:$0x6] =	wrdreg s22  }
0xf: {  	s0 =	simm.s32 $0x4000;
	s24 =	sadd.s32 $0xA000, s7;
	[dreg:$0x7] =	wrdreg s23  }
0x10: {  	s25 =	sadd.s32 $0xC000, s7;
	s26 =	sadd.s32 $0xE000, s7;
	[dreg:$0x8] =	wrdreg s24  }
0x11: {  	s29 =	smax.u32 s1, $0x1;
	s1 =	simm.s32 $0xC000;
	[dreg:$0x9] =	wrdreg s25  }
0x12: {  	s7 =	simm.s32 $0xE000;
	[dreg:$0xa] =	wrdreg s26;
	s20 =	smul.u32 $0x32000, s6  }
0x13: {  	[dreg:$0xb] =	wrdreg s29;
	s6 =	simm.s32 $0xD000;
	s22 =	simm.s32 $0x2  }
0x14: {  	s23 =	simm.s32 $0x4;
	s24 =	simm.s32 $0x3;
	s21 =	simm.s32 $0x0  }
.LBB2_1:
0x15: {  	[dreg:$0xc] =	wrdreg s21  }
0x16: {  	s5 =	rddreg [dreg:$0x3]  }
0x17: {  	[tilespmem:s2], [sflag:$0x1] =	stream.linear.gather [hbm4b:s5+s2], $0x800, $0x38;
	[tilespmem:$0x14000] =	vst v63  }
0x18: {  	s21 =	rddreg [dreg:$0x4];
	s25 =	simm.s32 $0x800  }
0x19: {  	[tilespmem:s25], [sflag:$0x1] =	stream.linear.gather [hbm4b:s21+s2], $0x800, $0x38;
	[tilespmem:$0x14000] =	vst v63  }
0x1a: {  	s26 =	rddreg [dreg:$0x5];
	s25 =	simm.s32 $0x1000  }
0x1b: {  	[tilespmem:s25], [sflag:$0x1] =	stream.linear.gather [hbm4b:s26+s2], $0x800, $0x38;
	[tilespmem:$0x14000] =	vst v63  }
0x1c: {  	s28 =	rddreg [dreg:$0x6];
	s26 =	simm.s32 $0x1800  }
0x1d: {  	[tilespmem:s26], [sflag:$0x1] =	stream.linear.gather [hbm4b:s28+s2], $0x800, $0x38;
	[tilespmem:$0x14000] =	vst v63  }
0x1e: {  	s29 =	rddreg [dreg:$0x7];
	s28 =	simm.s32 $0x2000  }
0x1f: {  	[tilespmem:s28], [sflag:$0x1] =	stream.linear.gather [hbm4b:s29+s2], $0x800, $0x38;
	[tilespmem:$0x14000] =	vst v63  }
0x20: {  	s21 =	rddreg [dreg:$0x8];
	s29 =	simm.s32 $0x2800  }
0x21: {  	[tilespmem:s29], [sflag:$0x1] =	stream.linear.gather [hbm4b:s21+s2], $0x800, $0x38;
	[tilespmem:$0x14000] =	vst v63  }
0x22: {  	s21 =	rddreg [dreg:$0x9]  }
0x23: {  	[tilespmem:s30], [sflag:$0x1] =	stream.linear.gather [hbm4b:s21+s2], $0x800, $0x38;
	[tilespmem:$0x14000] =	vst v63  }
0x24: {  	s5 =	rddreg [dreg:$0xa];
	s21 =	simm.s32 $0x3800  }
0x25: {  	[tilespmem:s21], [sflag:$0x1] =	stream.linear.gather [hbm4b:s5+s2], $0x800, $0x38;
	[tilespmem:$0x14000] =	vst v63  }
0x26: {  	s21 =	simm.s32 $0x1  }
0x27: {  	_ =	swait.ge [sflag:s21], $0x800  }
0x28: {  	[sflag:s21] =	ssyncset.done $0x0  }
0x29: {  	[sflag:s21] =	ssyncadd.s32 $0xFFFFF800  }
0x2a: {  	_ =	swait.ge [sflag:s21], $0x800  }
0x2b: {  	[sflag:s21] =	ssyncset.done $0x0  }
0x2c: {  	[sflag:s21] =	ssyncadd.s32 $0xFFFFF800  }
0x2d: {  	_ =	swait.ge [sflag:s21], $0x800  }
0x2e: {  	[sflag:s21] =	ssyncset.done $0x0  }
0x2f: {  	[sflag:s21] =	ssyncadd.s32 $0xFFFFF800  }
0x30: {  	_ =	swait.ge [sflag:s21], $0x800  }
0x31: {  	[sflag:s21] =	ssyncset.done $0x0  }
0x32: {  	[sflag:s21] =	ssyncadd.s32 $0xFFFFF800  }
0x33: {  	_ =	swait.ge [sflag:s21], $0x800  }
0x34: {  	[sflag:s21] =	ssyncset.done $0x0  }
0x35: {  	[sflag:s21] =	ssyncadd.s32 $0xFFFFF800  }
0x36: {  	_ =	swait.ge [sflag:s21], $0x800  }
0x37: {  	[sflag:s21] =	ssyncset.done $0x0  }
0x38: {  	[sflag:s21] =	ssyncadd.s32 $0xFFFFF800  }
0x39: {  	_ =	swait.ge [sflag:s21], $0x800  }
0x3a: {  	[sflag:s21] =	ssyncset.done $0x0  }
0x3b: {  	[sflag:s21] =	ssyncadd.s32 $0xFFFFF800  }
0x3c: {  	_ =	swait.ge [sflag:s21], $0x800  }
0x3d: {  	[sflag:s21] =	ssyncset.done $0x0  }
0x3e: {  	[sflag:s21] =	ssyncadd.s32 $0xFFFFF800  }
0x3f: {  	[tilespmem:s0], [sflag:$0x2] =	stream.indirect.gather [hbm4b:s3+s31], $0x80, s2, s31, $0xb8;
	[tilespmem:$0x14000] =	vst v63  }
0x40: {  	s5 =	simm.s32 $0x5000;
	s21 =	simm.s32 $0x800  }
0x41: {  	[tilespmem:s5], [sflag:$0x2] =	stream.indirect.gather [hbm4b:s13+s31], $0x80, s21, s31, $0xb8;
	[tilespmem:$0x14000] =	vst v63  }
0x42: {  	s21 =	simm.s32 $0x6000  }
0x43: {  	[tilespmem:s21], [sflag:$0x2] =	stream.indirect.gather [hbm4b:s14+s31], $0x80, s25, s31, $0xb8;
	[tilespmem:$0x14000] =	vst v63  }
0x44: {  	s25 =	simm.s32 $0x7000  }
0x45: {  	[tilespmem:s25], [sflag:$0x2] =	stream.indirect.gather [hbm4b:s15+s31], $0x80, s26, s31, $0xb8;
	[tilespmem:$0x14000] =	vst v63  }
0x46: {  	s21 =	simm.s32 $0x8000  }
0x47: {  	[tilespmem:s21], [sflag:$0x2] =	stream.indirect.gather [hbm4b:s16+s31], $0x80, s28, s31, $0xb8;
	[tilespmem:$0x14000] =	vst v63  }
0x48: {  	s25 =	simm.s32 $0x9000  }
0x49: {  	[tilespmem:s25], [sflag:$0x2] =	stream.indirect.gather [hbm4b:s18+s31], $0x80, s29, s31, $0xb8;
	[tilespmem:$0x14000] =	vst v63  }
0x4a: {  	s26 =	simm.s32 $0xA000  }
0x4b: {  	[tilespmem:s26], [sflag:$0x2] =	stream.indirect.gather [hbm4b:s17+s31], $0x80, s30, s31, $0xb8;
	[tilespmem:$0x14000] =	vst v63  }
0x4c: {  	s28 =	simm.s32 $0xB000;
	s29 =	simm.s32 $0x3800;
	s26 =	simm.s32 $0x0  }
0x4d: {  	[tilespmem:s28], [sflag:$0x2] =	stream.indirect.gather [hbm4b:s19+s31], $0x80, s29, s31, $0xb8;
	[tilespmem:$0x14000] =	vst v63  }
.LBB2_2:
0x4e: {  	s28 =	sshllo.u32 s26, $0x1  }
0x4f: {  	s29 =	sshll.u32 s26, $0x6;
	s5 =	sshll.u32 s28, $0x5  }
0x50: {  	s21 =	sand.u32 $0x780, s29;
	s5 =	sand.u32 $0x60, s5  }
0x51: {  	s5 =	sor.u32 s21, s5  }
0x52: {  	[tilespmem:s1], [sflag:$0x3] =	stream.indirect.gather [hbm4b:s3+s31], $0x80, s5, s31, $0xb8;
	[tilespmem:$0x14000] =	vst v63  }
0x53: {  	s21 =	sor.u32 $0x800, s5  }
0x54: {  	[tilespmem:s6], [sflag:$0x3] =	stream.indirect.gather [hbm4b:s13+s31], $0x80, s21, s31, $0xb8;
	[tilespmem:$0x14000] =	vst v63  }
0x55: {  	s25 =	sor.u32 $0x1000, s5  }
0x56: {  	[tilespmem:s7], [sflag:$0x3] =	stream.indirect.gather [hbm4b:s14+s31], $0x80, s25, s31, $0xb8;
	[tilespmem:$0x14000] =	vst v63  }
0x57: {  	s25 =	sor.u32 $0x1800, s5  }
0x58: {  	[tilespmem:s8], [sflag:$0x3] =	stream.indirect.gather [hbm4b:s15+s31], $0x80, s25, s31, $0xb8;
	[tilespmem:$0x14000] =	vst v63  }
0x59: {  	s25 =	sor.u32 $0x2000, s5  }
0x5a: {  	[tilespmem:s9], [sflag:$0x3] =	stream.indirect.gather [hbm4b:s16+s31], $0x80, s25, s31, $0xb8;
	[tilespmem:$0x14000] =	vst v63  }
0x5b: {  	s25 =	sor.u32 $0x2800, s5  }
0x5c: {  	[tilespmem:s10], [sflag:$0x3] =	stream.indirect.gather [hbm4b:s18+s31], $0x80, s25, s31, $0xb8;
	[tilespmem:$0x14000] =	vst v63  }
0x5d: {  	s25 =	sor.u32 $0x3000, s5  }
0x5e: {  	[tilespmem:s11], [sflag:$0x3] =	stream.indirect.gather [hbm4b:s17+s31], $0x80, s25, s31, $0xb8;
	[tilespmem:$0x14000] =	vst v63  }
0x5f: {  	s5 =	sor.u32 $0x3800, s5  }
0x60: {  	[tilespmem:s12], [sflag:$0x3] =	stream.indirect.gather [hbm4b:s19+s31], $0x80, s5, s31, $0xb8;
	[tilespmem:$0x14000] =	vst v63  }
0x61: {  	_ =	swait.ge [sflag:s22], $0x1000  }
0x62: {  	[sflag:s22] =	ssyncset.done $0x0  }
0x63: {  	[sflag:s22] =	ssyncadd.s32 $0xFFFFF000  }
0x64: {  	_ =	swait.ge [sflag:s22], $0x1000  }
0x65: {  	[sflag:s22] =	ssyncset.done $0x0  }
0x66: {  	[sflag:s22] =	ssyncadd.s32 $0xFFFFF000  }
0x67: {  	_ =	swait.ge [sflag:s22], $0x1000  }
0x68: {  	[sflag:s22] =	ssyncset.done $0x0  }
0x69: {  	[sflag:s22] =	ssyncadd.s32 $0xFFFFF000  }
0x6a: {  	_ =	swait.ge [sflag:s22], $0x1000  }
0x6b: {  	[sflag:s22] =	ssyncset.done $0x0  }
0x6c: {  	[sflag:s22] =	ssyncadd.s32 $0xFFFFF000  }
0x6d: {  	_ =	swait.ge [sflag:s22], $0x1000  }
0x6e: {  	[sflag:s22] =	ssyncset.done $0x0  }
0x6f: {  	[sflag:s22] =	ssyncadd.s32 $0xFFFFF000  }
0x70: {  	_ =	swait.ge [sflag:s22], $0x1000  }
0x71: {  	[sflag:s22] =	ssyncset.done $0x0  }
0x72: {  	[sflag:s22] =	ssyncadd.s32 $0xFFFFF000  }
0x73: {  	_ =	swait.ge [sflag:s22], $0x1000  }
0x74: {  	[sflag:s22] =	ssyncset.done $0x0  }
0x75: {  	[sflag:s22] =	ssyncadd.s32 $0xFFFFF000  }
0x76: {  	_ =	swait.ge [sflag:s22], $0x1000  }
0x77: {  	[sflag:s22] =	ssyncset.done $0x0  }
0x78: {  	s21 =	simm.s32 $0x0;
	[sflag:s22] =	ssyncadd.s32 $0xFFFFF000  }
0x79: {  	v2 =	vld [tilespmem:s21+$0xB000]  }
0x7a: {  	v0 =	vld [tilespmem:s21+$0xB010]  }
0x7b: {  	v3 =	vld [tilespmem:s21+$0xA000]  }
0x7c: {  	v1 =	vld [tilespmem:s21+$0xA010]  }
0x7d: {  	v5 =	vld [tilespmem:s21+$0x9000]  }
0x7e: {  	v4 =	vld [tilespmem:s21+$0x9010]  }
0x7f: {  	v7 =	vld [tilespmem:s21+$0x8000]  }
0x80: {  	v6 =	vld [tilespmem:s21+$0x8010]  }
0x81: {  	v9 =	vld [tilespmem:s21+$0x7000]  }
0x82: {  	v8 =	vld [tilespmem:s21+$0x7010]  }
0x83: {  	v11 =	vld [tilespmem:s21+$0x6000]  }
0x84: {  	v10 =	vld [tilespmem:s21+$0x6010]  }
0x85: {  	v15 =	vld [tilespmem:s21+$0x5000]  }
0x86: {  	v14 =	vld [tilespmem:s21+$0x5010]  }
0x87: {  	v13 =	vld [tilespmem:s21+$0x5020]  }
0x88: {  	v12 =	vld [tilespmem:s21+$0x5030]  }
0x89: {  	v18 =	vld [tilespmem:s21+$0x4000]  }
0x8a: {  	v17 =	vld [tilespmem:s21+$0x4010]  }
0x8b: {  	s5 =	simm.s32 $0x200;
	v16 =	vld [tilespmem:s21+$0x4020]  }
.LBB2_3:
0x8c: {  	p0 =	sne.s32 s5, $0x3E00;
	v19 =	vld [tilespmem:s21+$0x4030]  }
0x8d: {  	v20 =	vld [tilespmem:s21+$0x6020]  }
0x8e: {  	v15 =	vadd.f32 v15, v18;
	v18 =	vld [tilespmem:s21+$0x6030]  }
0x8f: {  	v14 =	vadd.f32 v14, v17;
	v17 =	vld [tilespmem:s21+$0x7020]  }
0x90: {  	v11 =	vadd.f32 v11, v15;
	v13 =	vadd.f32 v13, v16;
	v15 =	vld [tilespmem:s21+$0x7030]  }
0x91: {  	v10 =	vadd.f32 v10, v14;
	v14 =	vld [tilespmem:s21+$0x8020];
	v12 =	vadd.f32 v12, v19  }
0x92: {  	v9 =	vadd.f32 v9, v11;
	v11 =	vadd.f32 v20, v13;
	v13 =	vld [tilespmem:s21+$0x8030]  }
0x93: {  	v8 =	vadd.f32 v8, v10;
	v10 =	vld [tilespmem:s21+$0x9020];
	v12 =	vadd.f32 v18, v12  }
0x94: {  	v7 =	vadd.f32 v7, v9;
	v9 =	vadd.f32 v17, v11;
	v11 =	vld [tilespmem:s21+$0x9030]  }
0x95: {  	v6 =	vadd.f32 v6, v8;
	v8 =	vld [tilespmem:s21+$0xA020];
	v12 =	vadd.f32 v15, v12  }
0x96: {  	v5 =	vadd.f32 v5, v7;
	v7 =	vadd.f32 v14, v9;
	v9 =	vld [tilespmem:s21+$0xA030]  }
0x97: {  	v4 =	vadd.f32 v4, v6;
	v6 =	vld [tilespmem:s21+$0xB020];
	v12 =	vadd.f32 v13, v12  }
0x98: {  	s25 =	sshra.s32 s5, $0x2;
	v3 =	vadd.f32 v3, v5;
	v5 =	vadd.f32 v10, v7;
	v7 =	vld [tilespmem:s21+$0xB030]  }
0x99: {  	v10 =	vld [tilespmem:s25+$0xB000];
	v1 =	vadd.f32 v1, v4;
	v4 =	vadd.f32 v11, v12  }
0x9a: {  	v11 =	vld [tilespmem:s25+$0xB010];
	v2 =	vadd.f32 v2, v3;
	v5 =	vadd.f32 v8, v5  }
0x9b: {  	v3 =	vld [tilespmem:s25+$0xA000];
	v0 =	vadd.f32 v0, v1;
	v4 =	vadd.f32 v9, v4  }
0x9c: {  	v1 =	vld [tilespmem:s25+$0xA010];
	[tilespmem:s21+$0x4000] =	vst v2;
	v6 =	vadd.f32 v6, v5  }
0x9d: {  	v5 =	vld [tilespmem:s25+$0x9000];
	[tilespmem:s21+$0x4010] =	vst v0;
	v8 =	vadd.f32 v7, v4  }
0x9e: {  	v4 =	vld [tilespmem:s25+$0x9010];
	[tilespmem:s21+$0x4020] =	vst v6;
	v2 =	vmov v10  }
0x9f: {  	v7 =	vld [tilespmem:s25+$0x8000];
	[tilespmem:s21+$0x4030] =	vst v8;
	v0 =	vmov v11;
	s21 =	smov.u32 s25  }
0xa0: {  	v6 =	vld [tilespmem:s21+$0x8010]  }
0xa1: {  	v9 =	vld [tilespmem:s21+$0x7000]  }
0xa2: {  	v8 =	vld [tilespmem:s21+$0x7010]  }
0xa3: {  	v11 =	vld [tilespmem:s21+$0x6000]  }
0xa4: {  	v10 =	vld [tilespmem:s21+$0x6010]  }
0xa5: {  	v15 =	vld [tilespmem:s21+$0x5000]  }
0xa6: {  	v14 =	vld [tilespmem:s21+$0x5010]  }
.Ltmp0:
0xa7: {  	v13 =	vld [tilespmem:s21+$0x5020];
	(pc) =	sbr.rel @p0 .LBB2_3-.Ltmp0, $4  }
0xa8: {  	v12 =	vld [tilespmem:s21+$0x5030]  }
0xa9: {  	v18 =	vld [tilespmem:s21+$0x4000]  }
0xaa: {  	v17 =	vld [tilespmem:s21+$0x4010]  }
0xab: {  	s5 =	sadd.s32 $0x200, s5;
	v16 =	vld [tilespmem:s21+$0x4020]  }
0xac: {  	v19 =	vld [tilespmem:s21+$0x4030]  }
0xad: {  	v20 =	vld [tilespmem:s21+$0x6020]  }
0xae: {  	v15 =	vadd.f32 v15, v18;
	v18 =	vld [tilespmem:s21+$0x6030]  }
0xaf: {  	v14 =	vadd.f32 v14, v17;
	v17 =	vld [tilespmem:s21+$0x7020]  }
0xb0: {  	v11 =	vadd.f32 v11, v15;
	v13 =	vadd.f32 v13, v16;
	v15 =	vld [tilespmem:s21+$0x7030]  }
0xb1: {  	v10 =	vadd.f32 v10, v14;
	v14 =	vld [tilespmem:s21+$0x8020];
	v12 =	vadd.f32 v12, v19  }
0xb2: {  	v9 =	vadd.f32 v9, v11;
	v11 =	vadd.f32 v20, v13;
	v13 =	vld [tilespmem:s21+$0x8030]  }
0xb3: {  	v8 =	vadd.f32 v8, v10;
	v10 =	vld [tilespmem:s21+$0x9020];
	v12 =	vadd.f32 v18, v12  }
0xb4: {  	v7 =	vadd.f32 v7, v9;
	v9 =	vadd.f32 v17, v11;
	v11 =	vld [tilespmem:s21+$0x9030]  }
0xb5: {  	v6 =	vadd.f32 v6, v8;
	v8 =	vld [tilespmem:s21+$0xA020];
	v12 =	vadd.f32 v15, v12  }
0xb6: {  	v5 =	vadd.f32 v5, v7;
	v7 =	vadd.f32 v14, v9;
	v9 =	vld [tilespmem:s21+$0xA030]  }
0xb7: {  	v4 =	vadd.f32 v4, v6;
	v6 =	vld [tilespmem:s21+$0xB020];
	v12 =	vadd.f32 v13, v12  }
0xb8: {  	v3 =	vadd.f32 v3, v5;
	v5 =	vadd.f32 v10, v7;
	v7 =	vld [tilespmem:s21+$0xB030]  }
0xb9: {  	v1 =	vadd.f32 v1, v4;
	v4 =	vadd.f32 v11, v12  }
0xba: {  	v2 =	vadd.f32 v2, v3;
	v3 =	vadd.f32 v8, v5  }
0xbb: {  	v0 =	vadd.f32 v0, v1;
	v1 =	vadd.f32 v9, v4  }
0xbc: {  	s5 =	sshll.u32 s26, $0xD;
	[tilespmem:s21+$0x4000] =	vst v2;
	v2 =	vadd.f32 v6, v3  }
0xbd: {  	s5 =	sadd.s32 s20, s5;
	[tilespmem:s21+$0x4010] =	vst v0;
	v0 =	vadd.f32 v7, v1  }
0xbe: {  	s5 =	sshrl.u32 s5, $0x3;
	[tilespmem:s21+$0x4020] =	vst v2  }
0xbf: {  	s5 =	sadd.s32 s4, s5;
	[tilespmem:s21+$0x4030] =	vst v0  }
0xc0: {  	[hbm4b:s5+s2] =	stream.linear.scatter [tilespmem:s0], [sflag:$0x4], $0x1000, $0x38;
	[tilespmem:$0x14000] =	vst v63  }
0xc1: {  	p0 =	seq.s32 s26, $0x18;
	_ =	swait.ge [sflag:s23], $0x1000  }
0xc2: {  	s25 =	simm.s32 @!p0 $0x4000;
	[sflag:s23] =	ssyncset.done $0x0  }
0xc3: {  	s21 =	simm.s32 @!p0 $0x20;
	s5 =	sadd.s32 @!p0 $0x40, s29;
	[sflag:s23] =	ssyncadd.s32 $0xFFFFF000  }
0xc4: {  	[tilespmem:s25], [sflag:$0x2] =	stream.indirect.gather @!p0 [hbm4b:s3+s21], $0x80, s5, s21, $0xb8;
	[tilespmem:$0x14000] =	vst v63  }
0xc5: {  	s5 =	sadd.s32 @!p0 $0x840, s29;
	s25 =	simm.s32 @!p0 $0x5000  }
0xc6: {  	[tilespmem:s25], [sflag:$0x2] =	stream.indirect.gather @!p0 [hbm4b:s13+s21], $0x80, s5, s21, $0xb8;
	[tilespmem:$0x14000] =	vst v63  }
0xc7: {  	s5 =	sadd.s32 @!p0 $0x1040, s29;
	s25 =	simm.s32 @!p0 $0x6000  }
0xc8: {  	[tilespmem:s25], [sflag:$0x2] =	stream.indirect.gather @!p0 [hbm4b:s14+s21], $0x80, s5, s21, $0xb8;
	[tilespmem:$0x14000] =	vst v63  }
0xc9: {  	s5 =	sadd.s32 @!p0 $0x1840, s29;
	s25 =	simm.s32 @!p0 $0x7000  }
0xca: {  	[tilespmem:s25], [sflag:$0x2] =	stream.indirect.gather @!p0 [hbm4b:s15+s21], $0x80, s5, s21, $0xb8;
	[tilespmem:$0x14000] =	vst v63  }
0xcb: {  	s5 =	sadd.s32 @!p0 $0x2040, s29;
	s25 =	simm.s32 @!p0 $0x8000  }
0xcc: {  	[tilespmem:s25], [sflag:$0x2] =	stream.indirect.gather @!p0 [hbm4b:s16+s21], $0x80, s5, s21, $0xb8;
	[tilespmem:$0x14000] =	vst v63  }
0xcd: {  	s5 =	sadd.s32 @!p0 $0x2840, s29;
	s25 =	simm.s32 @!p0 $0x9000  }
0xce: {  	[tilespmem:s25], [sflag:$0x2] =	stream.indirect.gather @!p0 [hbm4b:s18+s21], $0x80, s5, s21, $0xb8;
	[tilespmem:$0x14000] =	vst v63  }
0xcf: {  	s5 =	sadd.s32 @!p0 $0x3040, s29;
	s25 =	simm.s32 @!p0 $0xA000  }
0xd0: {  	[tilespmem:s25], [sflag:$0x2] =	stream.indirect.gather @!p0 [hbm4b:s17+s21], $0x80, s5, s21, $0xb8;
	[tilespmem:$0x14000] =	vst v63  }
0xd1: {  	s5 =	sadd.s32 @!p0 $0x3840, s29;
	s25 =	simm.s32 @!p0 $0xB000  }
0xd2: {  	[tilespmem:s25], [sflag:$0x2] =	stream.indirect.gather @!p0 [hbm4b:s19+s21], $0x80, s5, s21, $0xb8;
	[tilespmem:$0x14000] =	vst v63  }
0xd3: {  	_ =	swait.ge [sflag:s24], $0x1000  }
0xd4: {  	[sflag:s24] =	ssyncset.done $0x0  }
0xd5: {  	[sflag:s24] =	ssyncadd.s32 $0xFFFFF000  }
0xd6: {  	_ =	swait.ge [sflag:s24], $0x1000  }
0xd7: {  	[sflag:s24] =	ssyncset.done $0x0  }
0xd8: {  	[sflag:s24] =	ssyncadd.s32 $0xFFFFF000  }
0xd9: {  	_ =	swait.ge [sflag:s24], $0x1000  }
0xda: {  	[sflag:s24] =	ssyncset.done $0x0  }
0xdb: {  	[sflag:s24] =	ssyncadd.s32 $0xFFFFF000  }
0xdc: {  	_ =	swait.ge [sflag:s24], $0x1000  }
0xdd: {  	[sflag:s24] =	ssyncset.done $0x0  }
0xde: {  	[sflag:s24] =	ssyncadd.s32 $0xFFFFF000  }
0xdf: {  	_ =	swait.ge [sflag:s24], $0x1000  }
0xe0: {  	[sflag:s24] =	ssyncset.done $0x0  }
0xe1: {  	[sflag:s24] =	ssyncadd.s32 $0xFFFFF000  }
0xe2: {  	_ =	swait.ge [sflag:s24], $0x1000  }
0xe3: {  	[sflag:s24] =	ssyncset.done $0x0  }
0xe4: {  	[sflag:s24] =	ssyncadd.s32 $0xFFFFF000  }
0xe5: {  	_ =	swait.ge [sflag:s24], $0x1000  }
0xe6: {  	[sflag:s24] =	ssyncset.done $0x0  }
0xe7: {  	[sflag:s24] =	ssyncadd.s32 $0xFFFFF000  }
0xe8: {  	_ =	swait.ge [sflag:s24], $0x1000  }
0xe9: {  	[sflag:s24] =	ssyncset.done $0x0  }
0xea: {  	s21 =	simm.s32 $0x0;
	[sflag:s24] =	ssyncadd.s32 $0xFFFFF000  }
0xeb: {  	v2 =	vld [tilespmem:s21+$0x13000]  }
0xec: {  	v0 =	vld [tilespmem:s21+$0x13010]  }
0xed: {  	v3 =	vld [tilespmem:s21+$0x12000]  }
0xee: {  	v1 =	vld [tilespmem:s21+$0x12010]  }
0xef: {  	v5 =	vld [tilespmem:s21+$0x11000]  }
0xf0: {  	v4 =	vld [tilespmem:s21+$0x11010]  }
0xf1: {  	v7 =	vld [tilespmem:s21+$0x10000]  }
0xf2: {  	v6 =	vld [tilespmem:s21+$0x10010]  }
0xf3: {  	v9 =	vld [tilespmem:s21+$0xF000]  }
0xf4: {  	v8 =	vld [tilespmem:s21+$0xF010]  }
0xf5: {  	v11 =	vld [tilespmem:s21+$0xE000]  }
0xf6: {  	v10 =	vld [tilespmem:s21+$0xE010]  }
0xf7: {  	v15 =	vld [tilespmem:s21+$0xD000]  }
0xf8: {  	v14 =	vld [tilespmem:s21+$0xD010]  }
0xf9: {  	v13 =	vld [tilespmem:s21+$0xD020]  }
0xfa: {  	v12 =	vld [tilespmem:s21+$0xD030]  }
0xfb: {  	v18 =	vld [tilespmem:s21+$0xC000]  }
0xfc: {  	v17 =	vld [tilespmem:s21+$0xC010]  }
0xfd: {  	s5 =	simm.s32 $0x200;
	v16 =	vld [tilespmem:s21+$0xC020]  }
.LBB2_5:
0xfe: {  	p0 =	sne.s32 s5, $0x3E00;
	v19 =	vld [tilespmem:s21+$0xC030]  }
0xff: {  	v20 =	vld [tilespmem:s21+$0xE020]  }
0x100: {  	v15 =	vadd.f32 v15, v18;
	v18 =	vld [tilespmem:s21+$0xE030]  }
0x101: {  	v14 =	vadd.f32 v14, v17;
	v17 =	vld [tilespmem:s21+$0xF020]  }
0x102: {  	v11 =	vadd.f32 v11, v15;
	v13 =	vadd.f32 v13, v16;
	v15 =	vld [tilespmem:s21+$0xF030]  }
0x103: {  	v10 =	vadd.f32 v10, v14;
	v14 =	vld [tilespmem:s21+$0x10020];
	v12 =	vadd.f32 v12, v19  }
0x104: {  	v9 =	vadd.f32 v9, v11;
	v11 =	vadd.f32 v20, v13;
	v13 =	vld [tilespmem:s21+$0x10030]  }
0x105: {  	v8 =	vadd.f32 v8, v10;
	v10 =	vld [tilespmem:s21+$0x11020];
	v12 =	vadd.f32 v18, v12  }
0x106: {  	v7 =	vadd.f32 v7, v9;
	v9 =	vadd.f32 v17, v11;
	v11 =	vld [tilespmem:s21+$0x11030]  }
0x107: {  	v6 =	vadd.f32 v6, v8;
	v8 =	vld [tilespmem:s21+$0x12020];
	v12 =	vadd.f32 v15, v12  }
0x108: {  	v5 =	vadd.f32 v5, v7;
	v7 =	vadd.f32 v14, v9;
	v9 =	vld [tilespmem:s21+$0x12030]  }
0x109: {  	v4 =	vadd.f32 v4, v6;
	v6 =	vld [tilespmem:s21+$0x13020];
	v12 =	vadd.f32 v13, v12  }
0x10a: {  	s25 =	sshra.s32 s5, $0x2;
	v3 =	vadd.f32 v3, v5;
	v5 =	vadd.f32 v10, v7;
	v7 =	vld [tilespmem:s21+$0x13030]  }
0x10b: {  	v10 =	vld [tilespmem:s25+$0x13000];
	v1 =	vadd.f32 v1, v4;
	v4 =	vadd.f32 v11, v12  }
0x10c: {  	v11 =	vld [tilespmem:s25+$0x13010];
	v2 =	vadd.f32 v2, v3;
	v5 =	vadd.f32 v8, v5  }
0x10d: {  	v3 =	vld [tilespmem:s25+$0x12000];
	v0 =	vadd.f32 v0, v1;
	v4 =	vadd.f32 v9, v4  }
0x10e: {  	v1 =	vld [tilespmem:s25+$0x12010];
	[tilespmem:s21+$0xC000] =	vst v2;
	v6 =	vadd.f32 v6, v5  }
0x10f: {  	v5 =	vld [tilespmem:s25+$0x11000];
	[tilespmem:s21+$0xC010] =	vst v0;
	v8 =	vadd.f32 v7, v4  }
0x110: {  	v4 =	vld [tilespmem:s25+$0x11010];
	[tilespmem:s21+$0xC020] =	vst v6;
	v2 =	vmov v10  }
0x111: {  	v7 =	vld [tilespmem:s25+$0x10000];
	[tilespmem:s21+$0xC030] =	vst v8;
	v0 =	vmov v11;
	s21 =	smov.u32 s25  }
0x112: {  	v6 =	vld [tilespmem:s21+$0x10010]  }
0x113: {  	v9 =	vld [tilespmem:s21+$0xF000]  }
0x114: {  	v8 =	vld [tilespmem:s21+$0xF010]  }
0x115: {  	v11 =	vld [tilespmem:s21+$0xE000]  }
0x116: {  	v10 =	vld [tilespmem:s21+$0xE010]  }
0x117: {  	v15 =	vld [tilespmem:s21+$0xD000]  }
0x118: {  	v14 =	vld [tilespmem:s21+$0xD010]  }
.Ltmp1:
0x119: {  	v13 =	vld [tilespmem:s21+$0xD020];
	(pc) =	sbr.rel @p0 .LBB2_5-.Ltmp1, $4  }
0x11a: {  	v12 =	vld [tilespmem:s21+$0xD030]  }
0x11b: {  	v18 =	vld [tilespmem:s21+$0xC000]  }
0x11c: {  	v17 =	vld [tilespmem:s21+$0xC010]  }
0x11d: {  	s5 =	sadd.s32 $0x200, s5;
	v16 =	vld [tilespmem:s21+$0xC020]  }
0x11e: {  	v19 =	vld [tilespmem:s21+$0xC030]  }
0x11f: {  	v20 =	vld [tilespmem:s21+$0xE020]  }
0x120: {  	v44 =	vld [tilespmem:s21+$0xE030];
	v15 =	vadd.f32 v15, v18  }
0x121: {  	v45 =	vld [tilespmem:s21+$0xF020];
	v14 =	vadd.f32 v14, v17  }
0x122: {  	v46 =	vld [tilespmem:s21+$0xF030];
	v11 =	vadd.f32 v11, v15;
	v13 =	vadd.f32 v13, v16  }
0x123: {  	v47 =	vld [tilespmem:s21+$0x10020];
	v10 =	vadd.f32 v10, v14;
	v12 =	vadd.f32 v12, v19  }
0x124: {  	v49 =	vld [tilespmem:s21+$0x10030];
	v9 =	vadd.f32 v9, v11;
	v48 =	vadd.f32 v20, v13  }
0x125: {  	v50 =	vld [tilespmem:s21+$0x11020];
	v8 =	vadd.f32 v8, v10;
	v12 =	vadd.f32 v44, v12  }
0x126: {  	v52 =	vld [tilespmem:s21+$0x11030];
	v7 =	vadd.f32 v7, v9;
	v51 =	vadd.f32 v45, v48  }
0x127: {  	v53 =	vld [tilespmem:s21+$0x12020];
	v6 =	vadd.f32 v6, v8;
	v12 =	vadd.f32 v46, v12  }
0x128: {  	v55 =	vld [tilespmem:s21+$0x12030];
	v5 =	vadd.f32 v5, v7;
	v54 =	vadd.f32 v47, v51  }
0x129: {  	v56 =	vld [tilespmem:s21+$0x13020];
	v4 =	vadd.f32 v4, v6;
	v12 =	vadd.f32 v49, v12  }
0x12a: {  	v58 =	vld [tilespmem:s21+$0x13030];
	v3 =	vadd.f32 v3, v5;
	v57 =	vadd.f32 v50, v54  }
0x12b: {  	v1 =	vadd.f32 v1, v4;
	v59 =	vadd.f32 v52, v12  }
0x12c: {  	v2 =	vadd.f32 v2, v3;
	v60 =	vadd.f32 v53, v57  }
0x12d: {  	v0 =	vadd.f32 v0, v1;
	v61 =	vadd.f32 v55, v59  }
0x12e: {  	s5 =	sshll.u32 s28, $0xC;
	[tilespmem:s21+$0xC000] =	vst v2;
	v62 =	vadd.f32 v56, v60  }
0x12f: {  	s26 =	sadd.s32 $0x1, s26;
	s5 =	sadd.s32 s20, s5;
	[tilespmem:s21+$0xC010] =	vst v0;
	v63 =	vadd.f32 v58, v61  }
0x130: {  	p0 =	sne.s32 s26, $0x19;
	s5 =	sshrl.u32 s5, $0x3;
	[tilespmem:s21+$0xC020] =	vst v62  }
.Ltmp2:
0x131: {  	s5 =	sadd.s32 s4, s5;
	[tilespmem:s21+$0xC030] =	vst v63;
	(pc) =	sbr.rel @p0 .LBB2_2-.Ltmp2, $4  }
0x132: {  	[hbm4b:s5+s2] =	stream.linear.scatter [tilespmem:s1], [sflag:$0x4], $0x1000, $0x38;
	[tilespmem:$0x14000] =	vst v63  }
0x133: {  	_ =	swait.ge [sflag:s23], $0x1000  }
0x134: {  	[sflag:s23] =	ssyncset.done $0x0  }
0x135: {  	[sflag:s23] =	ssyncadd.s32 $0xFFFFF000  }
0x136: {  	s21 =	rddreg [dreg:$0xc]  }
0x137: {  	s5 =	rddreg [dreg:$0xb];
	s21 =	sadd.s32 $0x1, s21  }
0x138: {  	p0 =	sne.s32 s21, s5  }
.Ltmp3:
0x139: {  	_ = 	snop;
	(pc) =	sbr.rel @p0 .LBB2_1-.Ltmp3, $1  }
0x13a: {  	_ =	sdelay $0x3  }
0x13b: {  	_ =	sfence.sel $0x180000  }
0x13c: {  	[bflag:$0x0] =	sbarrier.arrive $0xFFFF  }
0x13d: {  	_ =	strace $0x90000047  }
0x13e: {  	s0 =	stileid.u32;
	[bflag:$0x2] =	sbarrier.arrive $0xFFFF  }
0x13f: {  	p0 =	sne.s32 s0, $0x0;
	s0 =	rddreg [dreg:$0x2]  }
0x140: {  	s0 =	sadd.s32 @!p0 $0x100000, s0  }
0x141: {  	[sflag:s0] =	ssyncadd.tile.s32 @!p0 $0x1;
	_ =	shalt  }
.Lfunc_end2:
_tile_overlayer_lowered:
.L_overlay_start_2:
0x142: {  	(tag) =	ssettag $0x2  }
0x143: {  	s0 =	rddreg [dreg:$0x0];
	s2 =	stileid.u32  }
0x144: {  	s1 =	rddreg [dreg:$0x1];
	p0 =	sne.s32 s2, $0x0  }
0x145: {  	s3 =	rddreg [dreg:$0x2];
	[bflag:$0x3] =	sbarrier.arrive $0xFFFF;
	s2 =	simm.s32 @!p0 $0x1C04  }
0x146: {  	[timem:s3], [sflag:s2] =	dma.local @!p0 [hbm:s0], s1  }
0x147: {  	s0 =	simm.s32 @!p0 $0x4  }
0x148: {  	_ =	swait.ge @!p0 [sflag:s0], s1  }
0x149: {  	s1 =	ssub.s32 @!p0 $0x0, s1;
	[sflag:s0] =	ssyncset.done @!p0 $0x0  }
0x14a: {  	[sflag:s0] =	ssyncadd.s32 @!p0 s1  }
0x14b: {  	[bflag:$0x3] =	sbarrier.arrive $0xFFFF  }
0x14c: {  	_ =	shalt  }

</sc_bundles>
